<compile_context>
chip_gen: v7x
topology: tpu7x:2x2x1
jax: 0.10.2.dev20260603
libtpu: 0.0.44.dev20260713+nightly
codegen_flags: <defaults>
</compile_context>

<pallas_src>
import functools

import jax
import jax.numpy as jnp
import numpy as np
from jax import lax
from jax.experimental import pallas as pl
from jax.experimental.pallas import tpu as pltpu
from jax.experimental.pallas import tpu_sc as plsc

_INTERPRET = False

RATIO_ = 0.25
KNN_K = 16


def _fps_body(m, rows, px_ref, py_ref, pz_ref, qx_ref, qy_ref, qz_ref):
    px = px_ref[...]
    py = py_ref[...]
    pz = pz_ref[...]
    n = rows * 128
    lin = (
        lax.broadcasted_iota(jnp.int32, (rows, 128), 0) * 128
        + lax.broadcasted_iota(jnp.int32, (rows, 128), 1)
    )
    orows = m // 128
    olin = (
        lax.broadcasted_iota(jnp.int32, (orows, 128), 0) * 128
        + lax.broadcasted_iota(jnp.int32, (orows, 128), 1)
    )

    cx0 = jnp.sum(jnp.where(lin == 0, px, 0.0))
    cy0 = jnp.sum(jnp.where(lin == 0, py, 0.0))
    cz0 = jnp.sum(jnp.where(lin == 0, pz, 0.0))
    qx_ref[...] = jnp.where(olin == 0, cx0, 0.0)
    qy_ref[...] = jnp.where(olin == 0, cy0, 0.0)
    qz_ref[...] = jnp.where(olin == 0, cz0, 0.0)

    def step(i, carry):
        dists, cx, cy, cz = carry
        dx = px - cx
        dy = py - cy
        dz = pz - cz
        d = (dx * dx + dz * dz) + dy * dy
        dists = jnp.minimum(dists, d)
        mval = jnp.max(dists)
        idx = jnp.min(jnp.where(dists == mval, lin, n))
        hit = lin == idx
        ncx = jnp.sum(jnp.where(hit, px, 0.0))
        ncy = jnp.sum(jnp.where(hit, py, 0.0))
        ncz = jnp.sum(jnp.where(hit, pz, 0.0))
        sel_mask = olin == i
        qx_ref[...] = jnp.where(sel_mask, ncx, qx_ref[...])
        qy_ref[...] = jnp.where(sel_mask, ncy, qy_ref[...])
        qz_ref[...] = jnp.where(sel_mask, ncz, qz_ref[...])
        return dists, ncx, ncy, ncz

    dists0 = jnp.full((rows, 128), jnp.inf, dtype=jnp.float32)
    lax.fori_loop(1, m, step, (dists0, cx0, cy0, cz0))


def _run_fps(px, py, pz, m):
    rows = px.shape[0]
    orows = m // 128
    out_shape = jax.ShapeDtypeStruct((orows, 128), jnp.float32)
    return pl.pallas_call(
        functools.partial(_fps_body, m, rows),
        out_shape=(out_shape, out_shape, out_shape),
        interpret=_INTERPRET,
    )(px, py, pz)


def _splat16(vec16, i):
    idxs = jnp.full((16, 1), i, dtype=jnp.int32)
    return lax.gather(
        vec16,
        idxs,
        lax.GatherDimensionNumbers(
            offset_dims=(), collapsed_slice_dims=(0,), start_index_map=(0,)
        ),
        (1,),
        mode=lax.GatherScatterMode.PROMISE_IN_BOUNDS,
    )


def _knn_tile_body(n, q_per_tile, px_h, py_h, pz_h, qx_h, qy_h, qz_h, out_h,
                   px_v, py_v, pz_v, qx_v, qy_v, qz_v, out_v):
    nc = 2
    c = lax.axis_index("c")
    s = lax.axis_index("s")
    wid = s * nc + c
    base = wid * q_per_tile

    pltpu.sync_copy(px_h, px_v)
    pltpu.sync_copy(py_h, py_v)
    pltpu.sync_copy(pz_h, pz_v)
    pltpu.sync_copy(qx_h.at[pl.ds(base, q_per_tile)], qx_v)
    pltpu.sync_copy(qy_h.at[pl.ds(base, q_per_tile)], qy_v)
    pltpu.sync_copy(qz_h.at[pl.ds(base, q_per_tile)], qz_v)

    nvec = n // 16
    inf = jnp.float32(jnp.inf)

    for g in range(q_per_tile // 16):
        qxg = qx_v[pl.ds(g * 16, 16)]
        qyg = qy_v[pl.ds(g * 16, 16)]
        qzg = qz_v[pl.ds(g * 16, 16)]

        def per_query(sq, _, qxg=qxg, qyg=qyg, qzg=qzg, g=g):
            qx = _splat16(qxg, sq)
            qy = _splat16(qyg, sq)
            qz = _splat16(qzg, sq)

            def scan_pt(j, carry):
                cur_d, cur_i, thresh = carry
                off = j * 16
                dx = px_v[pl.ds(off, 16)] - qx
                dy = py_v[pl.ds(off, 16)] - qy
                dz = pz_v[pl.ds(off, 16)] - qz
                d = (dx * dx + dz * dz) + dy * dy
                hit = d < thresh

                def merge(args):
                    cd, ci, _t = args
                    cand_i = off + lax.iota(jnp.int32, 16)
                    ds_, is_ = plsc.sort_key_val(d, cand_i)
                    rd = lax.rev(ds_, (0,))
                    ri = lax.rev(is_, (0,))
                    keep = cd <= rd
                    md = jnp.where(keep, cd, rd)
                    mi = jnp.where(keep, ci, ri)
                    nd, ni = plsc.sort_key_val(md, mi)
                    return nd, ni, _splat16(nd, 15)

                carry = lax.cond(jnp.any(hit), merge, lambda a: a,
                                 (cur_d, cur_i, thresh))
                return carry

            cur_d0 = jnp.full((16,), inf, dtype=jnp.float32)
            cur_i0 = jnp.zeros((16,), dtype=jnp.int32)
            thresh0 = jnp.full((16,), inf, dtype=jnp.float32)
            _, cur_i, _ = lax.fori_loop(0, nvec, scan_pt,
                                        (cur_d0, cur_i0, thresh0))
            out_v[g * 16 + sq, :] = cur_i
            return 0

        lax.fori_loop(0, 16, per_query, 0)

    pltpu.sync_copy(out_v, out_h.at[pl.ds(base, q_per_tile)])


def _run_knn(px, py, pz, qx, qy, qz):
    n = px.shape[0]
    m = qx.shape[0]
    q_per_tile = m // 32
    mesh = plsc.VectorSubcoreMesh(
        core_axis_name="c", subcore_axis_name="s", num_cores=2, num_subcores=16
    )
    kfn = pl.kernel(
        functools.partial(_knn_tile_body, n, q_per_tile),
        out_type=jax.ShapeDtypeStruct((m, KNN_K), jnp.int32),
        mesh=mesh,
        scratch_types=[
            pltpu.VMEM((n,), jnp.float32),
            pltpu.VMEM((n,), jnp.float32),
            pltpu.VMEM((n,), jnp.float32),
            pltpu.VMEM((q_per_tile,), jnp.float32),
            pltpu.VMEM((q_per_tile,), jnp.float32),
            pltpu.VMEM((q_per_tile,), jnp.float32),
            pltpu.VMEM((q_per_tile, KNN_K), jnp.int32),
        ],
        compiler_params=pltpu.CompilerParams(needs_layout_passes=False),
        interpret=_INTERPRET,
    )
    return kfn(px, py, pz, qx, qy, qz)


def _mlp_body(x_ref, w_ref, b_ref, o_ref):
    o_ref[...] = (
        lax.dot_general(
            x_ref[...], w_ref[...], (((1,), (1,)), ((), ())),
            preferred_element_type=jnp.float32,
        )
        + b_ref[...]
    )


def _run_mlp(x, w, b2d):
    n, cin = x.shape
    cout = w.shape[0]
    blk = 1024
    return pl.pallas_call(
        _mlp_body,
        grid=(n // blk,),
        in_specs=[
            pl.BlockSpec((blk, cin), lambda i: (i, 0)),
            pl.BlockSpec((cout, cin), lambda i: (0, 0)),
            pl.BlockSpec((1, cout), lambda i: (0, 0)),
        ],
        out_specs=pl.BlockSpec((blk, cout), lambda i: (i, 0)),
        out_shape=jax.ShapeDtypeStruct((n, cout), jnp.float32),
        interpret=_INTERPRET,
    )(x, w, b2d)


def _pool_tile_body(q_per_tile, cout, h_h, idx_h, out_h,
                    idx_v, rows_v, out_v, sem):
    nc = 2
    c = lax.axis_index("c")
    s = lax.axis_index("s")
    wid = s * nc + c
    base = wid * q_per_tile

    pltpu.sync_copy(idx_h.at[pl.ds(base, q_per_tile)], idx_v)

    cgroups = cout // 16

    def per_query(q, _):
        pltpu.async_copy(h_h.at[idx_v.at[q]], rows_v, sem).wait()

        def per_col(cg, _2):
            off = cg * 16
            acc = rows_v[0, pl.ds(off, 16)]
            for r in range(1, KNN_K):
                acc = jnp.maximum(acc, rows_v[r, pl.ds(off, 16)])
            out_v[q, pl.ds(off, 16)] = acc
            return 0

        lax.fori_loop(0, cgroups, per_col, 0)
        return 0

    lax.fori_loop(0, q_per_tile, per_query, 0)
    pltpu.sync_copy(out_v, out_h.at[pl.ds(base, q_per_tile)])


def _run_pool(h, idx):
    m = idx.shape[0]
    cout = h.shape[1]
    q_per_tile = m // 32
    mesh = plsc.VectorSubcoreMesh(
        core_axis_name="c", subcore_axis_name="s", num_cores=2, num_subcores=16
    )
    kfn = pl.kernel(
        functools.partial(_pool_tile_body, q_per_tile, cout),
        out_type=jax.ShapeDtypeStruct((m, cout), jnp.float32),
        mesh=mesh,
        scratch_types=[
            pltpu.VMEM((q_per_tile, KNN_K), jnp.int32),
            pltpu.VMEM((KNN_K, cout), jnp.float32),
            pltpu.VMEM((q_per_tile, cout), jnp.float32),
            pltpu.SemaphoreType.DMA,
        ],
        compiler_params=pltpu.CompilerParams(needs_layout_passes=False),
        interpret=_INTERPRET,
    )
    return kfn(h, idx)


def kernel(x, pos, batch, W, b):
    n = pos.shape[0]
    m = int(np.ceil(RATIO_ * n))

    posf = pos.astype(jnp.float32)
    px = posf[:, 0].reshape(n // 128, 128)
    py = posf[:, 1].reshape(n // 128, 128)
    pz = posf[:, 2].reshape(n // 128, 128)

    qxp, qyp, qzp = _run_fps(px, py, pz, m)
    qx = qxp.reshape(m)
    qy = qyp.reshape(m)
    qz = qzp.reshape(m)

    idx = _run_knn(px.reshape(n), py.reshape(n), pz.reshape(n), qx, qy, qz)

    h = _run_mlp(x, W, b.reshape(1, -1))

    out = _run_pool(h, idx)

    sub_pos = jnp.stack([qx, qy, qz], axis=1)
    sub_batch = jnp.zeros((m,), dtype=batch.dtype)
    return (out, sub_pos, sub_batch)

# --- scband reference (transcript-rebuilt; emitter-appended) ---
"""Pipeline reference for scband-transition-down-30021821399846 (READ-ONLY COPY).

The authoritative reference and input builder live on the scoring server;
editing this copy changes nothing except your own understanding.
"""

import jax, jax.numpy as jnp
import numpy as np

RATIO = 0.25
K = 16


def fps_indices(pos, m):
    # Farthest point sampling, deterministic start at index 0 (single batch segment).
    N = pos.shape[0]
    sel0 = jnp.zeros((m,), dtype=jnp.int32)
    dists0 = jnp.full((N,), jnp.inf, dtype=pos.dtype)

    def body(i, carry):
        sel, dists = carry
        last = pos[sel[i - 1]]
        d = jnp.sum((pos - last) ** 2, axis=1)
        dists = jnp.minimum(dists, d)
        nxt = jnp.argmax(dists).astype(jnp.int32)
        return sel.at[i].set(nxt), dists

    sel, _ = jax.lax.fori_loop(1, m, body, (sel0, dists0))
    return sel


def knn_indices(pos, query, k):
    # For each query point, indices of k nearest source points.
    d2 = jnp.sum((query[:, None, :] - pos[None, :, :]) ** 2, axis=-1)  # [m, N]
    _, idx = jax.lax.top_k(-d2, k)  # [m, k]
    m = query.shape[0]
    row0 = jnp.repeat(jnp.arange(m), k)  # cluster (query) ids
    row1 = idx.reshape(-1)  # source point ids
    return row0, row1


def setup_inputs(seed: int = 0) -> dict:
    key = jax.random.key(seed)
    k1, k2, k3, k4 = jax.random.split(key, 4)
    N, Cin, Cout = 8192, 256, 512
    x = jax.random.normal(k1, (N, Cin), dtype=jnp.float32)
    pos = jax.random.uniform(k2, (N, 3), dtype=jnp.float32)
    batch = jnp.zeros((N,), dtype=jnp.int64)
    W = jax.random.normal(k3, (Cout, Cin), dtype=jnp.float32) * (1.0 / np.sqrt(Cin))
    b = jax.random.normal(k4, (Cout,), dtype=jnp.float32) * 0.01
    return {"x": x, "pos": pos, "batch": batch, "W": W, "b": b}


def reference(x, pos, batch, W, b):
    N = pos.shape[0]
    m = int(np.ceil(RATIO * N))
    # fps(pos, ratio, batch) -- batch is all-zeros so global FPS is equivalent
    sel = fps_indices(pos, m)
    sub_batch = batch[sel]
    # knn(pos, pos[sel], k) -> edge index (query_id, source_id)
    row0, row1 = knn_indices(pos, pos[sel], K)
    # mlp
    h = x @ W.T + b
    # scatter_max of neighbor features onto clusters
    gathered = h[row1]
    out = jax.ops.segment_max(gathered, row0, num_segments=m)
    sub_pos = pos[sel]
    return (out, sub_pos, sub_batch)

if __name__ == "__main__":
    import jax
    _d = setup_inputs()
    print(jax.jit(kernel)(*tuple(_d.values())))

</pallas_src>

<mosaic_0001>
#map = affine_map<(d0, d1) -> (0, 0)>
module attributes {stable_mosaic.version = 14 : i64} {
  func.func @_pool_tile_body(%arg0: i32, %arg1: i32, %arg2: memref<8192x512xf32, #tpu.memory_space<hbm>>, %arg3: memref<2048x16xi32, #tpu.memory_space<hbm>>, %arg4: memref<2048x512xf32, #tpu.memory_space<hbm>>, %arg5: memref<64x16xi32, #tpu.memory_space<vmem>>, %arg6: memref<16x512xf32, #tpu.memory_space<vmem>>, %arg7: memref<64x512xf32, #tpu.memory_space<vmem>>, %arg8: memref<!tpu.dma_semaphore, #tpu.memory_space<semaphore_mem>>) attributes {dimension_semantics = [#tpu.dimension_semantics<core_parallel>, #tpu.dimension_semantics<subcore_parallel>], iteration_bounds = array<i64: 2, 16>, scalar_prefetch = 0 : i64, scratch_operands = 4 : i64, tpu.core_type = #tpu.core_type<sc_vector_subcore>, window_params = [{transform_indices = #map}, {transform_indices = #map}, {transform_indices = #map}]} {
    %mul3A = arith.constant 2 : i32
    %mul3A_0 = arith.muli %arg1, %mul3A : i32
    %add3A = arith.addi %mul3A_0, %arg0 : i32
    %mul3A_1 = arith.constant 64 : i32
    %mul3A_2 = arith.muli %add3A, %mul3A_1 : i32
    "tpu.region"() ({
      %run_scoped3A = tpu.sem_alloc : memref<!tpu.dma_semaphore, #tpu.memory_space<semaphore_mem>>
      %dma_start3A = arith.constant 0 : i32
      %dma_start3A_9 = tpu.memref_slice %arg3[%mul3A_2, %dma_start3A] : memref<2048x16xi32, #tpu.memory_space<hbm>> -> memref<64x16xi32, #tpu.memory_space<hbm>>
      %dma_start3A_10 = arith.constant 0 : i32
      %dma_start3A_11 = tpu.memref_slice %arg3[%mul3A_2, %dma_start3A_10] : memref<2048x16xi32, #tpu.memory_space<hbm>> -> memref<64x16xi32, #tpu.memory_space<hbm>>
      tpu.enqueue_dma source(%dma_start3A_11 : memref<64x16xi32, #tpu.memory_space<hbm>>) target(%arg5 : memref<64x16xi32, #tpu.memory_space<vmem>>) target_semaphore(%run_scoped3A : memref<!tpu.dma_semaphore, #tpu.memory_space<semaphore_mem>>)
      %dma_wait3A = arith.constant 0 : i32
      %dma_wait3A_12 = tpu.memref_slice %arg3[%mul3A_2, %dma_wait3A] : memref<2048x16xi32, #tpu.memory_space<hbm>> -> memref<64x16xi32, #tpu.memory_space<hbm>>
      %dma_wait3A_13 = arith.constant 0 : i32
      %dma_wait3A_14 = tpu.memref_slice %arg3[%mul3A_2, %dma_wait3A_13] : memref<2048x16xi32, #tpu.memory_space<hbm>> -> memref<64x16xi32, #tpu.memory_space<hbm>>
      tpu.wait_dma2 semaphore(%run_scoped3A : memref<!tpu.dma_semaphore, #tpu.memory_space<semaphore_mem>>) src(%dma_wait3A_14 : memref<64x16xi32, #tpu.memory_space<hbm>>) dst(%arg5 : memref<64x16xi32, #tpu.memory_space<vmem>>)
      tpu.yield
    }) : () -> ()
    %scan3A = arith.constant 0 : i32
    %scan3A_3 = arith.constant 0 : i32
    %scan3A_4 = arith.constant 64 : i32
    %scan3A_5 = arith.addi %scan3A_3, %scan3A_4 : i32
    %scan3A_6 = arith.constant 1 : i32
    %scan3A_7 = scf.for %scan3A_9 = %scan3A_3 to %scan3A_5 step %scan3A_6 iter_args(%scan3A_10 = %scan3A) -> (i32)  : i32 {
      %dma_start3A = arith.constant 0 : i32
      %dma_start3A_11 = tpu.memref_slice %arg5[%scan3A_9, %dma_start3A] : memref<64x16xi32, #tpu.memory_space<vmem>> -> memref<1x16xi32, #tpu.memory_space<vmem>>
      %dma_start3A_12 = tpu.memref_squeeze %dma_start3A_11 : memref<1x16xi32, #tpu.memory_space<vmem>> -> memref<16xi32, #tpu.memory_space<vmem>>
      %dma_start3A_13 = arith.constant 0 : i32
      %dma_start3A_14 = arith.constant 0 : i32
      %dma_start3A_15 = tpu.memref_slice %arg2[%dma_start3A_13, %dma_start3A_14] : memref<8192x512xf32, #tpu.memory_space<hbm>> -> memref<8192x512xf32, #tpu.memory_space<hbm>>
      tpu.enqueue_indirect_dma source(%dma_start3A_15 : memref<8192x512xf32, #tpu.memory_space<hbm>>) target(%arg6 : memref<16x512xf32, #tpu.memory_space<vmem>>) offsets(%dma_start3A_12 : memref<16xi32, #tpu.memory_space<vmem>>) semaphore(%arg8 : memref<!tpu.dma_semaphore, #tpu.memory_space<semaphore_mem>>)
      %dma_wait3A = arith.constant 0 : i32
      %dma_wait3A_16 = tpu.memref_slice %arg5[%scan3A_9, %dma_wait3A] : memref<64x16xi32, #tpu.memory_space<vmem>> -> memref<1x16xi32, #tpu.memory_space<vmem>>
      %dma_wait3A_17 = tpu.memref_squeeze %dma_wait3A_16 : memref<1x16xi32, #tpu.memory_space<vmem>> -> memref<16xi32, #tpu.memory_space<vmem>>
      %dma_wait3A_18 = arith.constant 0 : i32
      %dma_wait3A_19 = arith.constant 0 : i32
      %dma_wait3A_20 = tpu.memref_slice %arg2[%dma_wait3A_18, %dma_wait3A_19] : memref<8192x512xf32, #tpu.memory_space<hbm>> -> memref<8192x512xf32, #tpu.memory_space<hbm>>
      tpu.wait_indirect_dma semaphore(%arg8 : memref<!tpu.dma_semaphore, #tpu.memory_space<semaphore_mem>>) src(%dma_wait3A_20 : memref<8192x512xf32, #tpu.memory_space<hbm>>) dst(%arg6 : memref<16x512xf32, #tpu.memory_space<vmem>>)
      %scan3A_21 = arith.constant 0 : i32
      %scan3A_22 = arith.constant 0 : i32
      %scan3A_23 = arith.constant 32 : i32
      %scan3A_24 = arith.addi %scan3A_22, %scan3A_23 : i32
      %scan3A_25 = arith.constant 1 : i32
      %scan3A_26 = scf.for %scan3A_29 = %scan3A_22 to %scan3A_24 step %scan3A_25 iter_args(%scan3A_30 = %scan3A_21) -> (i32)  : i32 {
        %mul3A_31 = arith.constant 16 : i32
        %mul3A_32 = arith.muli %scan3A_29, %mul3A_31 : i32
        %get3A = arith.constant 0 : i32
        %get3A_33 = arith.index_cast %get3A : i32 to index
        %get3A_34 = arith.index_cast %mul3A_32 : i32 to index
        %get3A_35 = tpu.vector_load %arg6[%get3A_33, %get3A_34] {strides = array<i32>} : memref<16x512xf32, #tpu.memory_space<vmem>>, vector<16xf32>,
        %get3A_36 = arith.constant 1 : i32
        %get3A_37 = arith.index_cast %get3A_36 : i32 to index
        %get3A_38 = arith.index_cast %mul3A_32 : i32 to index
        %get3A_39 = tpu.vector_load %arg6[%get3A_37, %get3A_38] {strides = array<i32>} : memref<16x512xf32, #tpu.memory_space<vmem>>, vector<16xf32>,
        %max3A = arith.maximumf %get3A_35, %get3A_39 : vector<16xf32>
        %get3A_40 = arith.constant 2 : i32
        %get3A_41 = arith.index_cast %get3A_40 : i32 to index
        %get3A_42 = arith.index_cast %mul3A_32 : i32 to index
        %get3A_43 = tpu.vector_load %arg6[%get3A_41, %get3A_42] {strides = array<i32>} : memref<16x512xf32, #tpu.memory_space<vmem>>, vector<16xf32>,
        %max3A_44 = arith.maximumf %max3A, %get3A_43 : vector<16xf32>
        %get3A_45 = arith.constant 3 : i32
        %get3A_46 = arith.index_cast %get3A_45 : i32 to index
        %get3A_47 = arith.index_cast %mul3A_32 : i32 to index
        %get3A_48 = tpu.vector_load %arg6[%get3A_46, %get3A_47] {strides = array<i32>} : memref<16x512xf32, #tpu.memory_space<vmem>>, vector<16xf32>,
        %max3A_49 = arith.maximumf %max3A_44, %get3A_48 : vector<16xf32>
        %get3A_50 = arith.constant 4 : i32
        %get3A_51 = arith.index_cast %get3A_50 : i32 to index
        %get3A_52 = arith.index_cast %mul3A_32 : i32 to index
        %get3A_53 = tpu.vector_load %arg6[%get3A_51, %get3A_52] {strides = array<i32>} : memref<16x512xf32, #tpu.memory_space<vmem>>, vector<16xf32>,
        %max3A_54 = arith.maximumf %max3A_49, %get3A_53 : vector<16xf32>
        %get3A_55 = arith.constant 5 : i32
        %get3A_56 = arith.index_cast %get3A_55 : i32 to index
        %get3A_57 = arith.index_cast %mul3A_32 : i32 to index
        %get3A_58 = tpu.vector_load %arg6[%get3A_56, %get3A_57] {strides = array<i32>} : memref<16x512xf32, #tpu.memory_space<vmem>>, vector<16xf32>,
        %max3A_59 = arith.maximumf %max3A_54, %get3A_58 : vector<16xf32>
        %get3A_60 = arith.constant 6 : i32
        %get3A_61 = arith.index_cast %get3A_60 : i32 to index
        %get3A_62 = arith.index_cast %mul3A_32 : i32 to index
        %get3A_63 = tpu.vector_load %arg6[%get3A_61, %get3A_62] {strides = array<i32>} : memref<16x512xf32, #tpu.memory_space<vmem>>, vector<16xf32>,
        %max3A_64 = arith.maximumf %max3A_59, %get3A_63 : vector<16xf32>
        %get3A_65 = arith.constant 7 : i32
        %get3A_66 = arith.index_cast %get3A_65 : i32 to index
        %get3A_67 = arith.index_cast %mul3A_32 : i32 to index
        %get3A_68 = tpu.vector_load %arg6[%get3A_66, %get3A_67] {strides = array<i32>} : memref<16x512xf32, #tpu.memory_space<vmem>>, vector<16xf32>,
        %max3A_69 = arith.maximumf %max3A_64, %get3A_68 : vector<16xf32>
        %get3A_70 = arith.constant 8 : i32
        %get3A_71 = arith.index_cast %get3A_70 : i32 to index
        %get3A_72 = arith.index_cast %mul3A_32 : i32 to index
        %get3A_73 = tpu.vector_load %arg6[%get3A_71, %get3A_72] {strides = array<i32>} : memref<16x512xf32, #tpu.memory_space<vmem>>, vector<16xf32>,
        %max3A_74 = arith.maximumf %max3A_69, %get3A_73 : vector<16xf32>
        %get3A_75 = arith.constant 9 : i32
        %get3A_76 = arith.index_cast %get3A_75 : i32 to index
        %get3A_77 = arith.index_cast %mul3A_32 : i32 to index
        %get3A_78 = tpu.vector_load %arg6[%get3A_76, %get3A_77] {strides = array<i32>} : memref<16x512xf32, #tpu.memory_space<vmem>>, vector<16xf32>,
        %max3A_79 = arith.maximumf %max3A_74, %get3A_78 : vector<16xf32>
        %get3A_80 = arith.constant 10 : i32
        %get3A_81 = arith.index_cast %get3A_80 : i32 to index
        %get3A_82 = arith.index_cast %mul3A_32 : i32 to index
        %get3A_83 = tpu.vector_load %arg6[%get3A_81, %get3A_82] {strides = array<i32>} : memref<16x512xf32, #tpu.memory_space<vmem>>, vector<16xf32>,
        %max3A_84 = arith.maximumf %max3A_79, %get3A_83 : vector<16xf32>
        %get3A_85 = arith.constant 11 : i32
        %get3A_86 = arith.index_cast %get3A_85 : i32 to index
        %get3A_87 = arith.index_cast %mul3A_32 : i32 to index
        %get3A_88 = tpu.vector_load %arg6[%get3A_86, %get3A_87] {strides = array<i32>} : memref<16x512xf32, #tpu.memory_space<vmem>>, vector<16xf32>,
        %max3A_89 = arith.maximumf %max3A_84, %get3A_88 : vector<16xf32>
        %get3A_90 = arith.constant 12 : i32
        %get3A_91 = arith.index_cast %get3A_90 : i32 to index
        %get3A_92 = arith.index_cast %mul3A_32 : i32 to index
        %get3A_93 = tpu.vector_load %arg6[%get3A_91, %get3A_92] {strides = array<i32>} : memref<16x512xf32, #tpu.memory_space<vmem>>, vector<16xf32>,
        %max3A_94 = arith.maximumf %max3A_89, %get3A_93 : vector<16xf32>
        %get3A_95 = arith.constant 13 : i32
        %get3A_96 = arith.index_cast %get3A_95 : i32 to index
        %get3A_97 = arith.index_cast %mul3A_32 : i32 to index
        %get3A_98 = tpu.vector_load %arg6[%get3A_96, %get3A_97] {strides = array<i32>} : memref<16x512xf32, #tpu.memory_space<vmem>>, vector<16xf32>,
        %max3A_99 = arith.maximumf %max3A_94, %get3A_98 : vector<16xf32>
        %get3A_100 = arith.constant 14 : i32
        %get3A_101 = arith.index_cast %get3A_100 : i32 to index
        %get3A_102 = arith.index_cast %mul3A_32 : i32 to index
        %get3A_103 = tpu.vector_load %arg6[%get3A_101, %get3A_102] {strides = array<i32>} : memref<16x512xf32, #tpu.memory_space<vmem>>, vector<16xf32>,
        %max3A_104 = arith.maximumf %max3A_99, %get3A_103 : vector<16xf32>
        %get3A_105 = arith.constant 15 : i32
        %get3A_106 = arith.index_cast %get3A_105 : i32 to index
        %get3A_107 = arith.index_cast %mul3A_32 : i32 to index
        %get3A_108 = tpu.vector_load %arg6[%get3A_106, %get3A_107] {strides = array<i32>} : memref<16x512xf32, #tpu.memory_space<vmem>>, vector<16xf32>,
        %max3A_109 = arith.maximumf %max3A_104, %get3A_108 : vector<16xf32>
        %swap3A = arith.index_cast %scan3A_9 : i32 to index
        %swap3A_110 = arith.index_cast %mul3A_32 : i32 to index
        %swap3A_111 = tpu.vector_load %arg7[%swap3A, %swap3A_110] {strides = array<i32>} : memref<64x512xf32, #tpu.memory_space<vmem>>, vector<16xf32>,
        tpu.vector_store %arg7[%swap3A, %swap3A_110], %max3A_109 {strides = array<i32>} : memref<64x512xf32, #tpu.memory_space<vmem>>, vector<16xf32>,
        %scan3A_112 = arith.constant 0 : i32
        scf.yield %scan3A_112 : i32
      }
      %scan3A_27 = arith.constant 32 : i32
      %scan3A_28 = arith.constant 0 : i32
      scf.yield %scan3A_28 : i32
    }
    %scan3A_8 = arith.constant 64 : i32
    "tpu.region"() ({
      %run_scoped3A = tpu.sem_alloc : memref<!tpu.dma_semaphore, #tpu.memory_space<semaphore_mem>>
      %dma_start3A = arith.constant 0 : i32
      %dma_start3A_9 = tpu.memref_slice %arg4[%mul3A_2, %dma_start3A] : memref<2048x512xf32, #tpu.memory_space<hbm>> -> memref<64x512xf32, #tpu.memory_space<hbm>>
      %dma_start3A_10 = arith.constant 0 : i32
      %dma_start3A_11 = tpu.memref_slice %arg4[%mul3A_2, %dma_start3A_10] : memref<2048x512xf32, #tpu.memory_space<hbm>> -> memref<64x512xf32, #tpu.memory_space<hbm>>
      tpu.enqueue_dma source(%arg7 : memref<64x512xf32, #tpu.memory_space<vmem>>) target(%dma_start3A_11 : memref<64x512xf32, #tpu.memory_space<hbm>>) target_semaphore(%run_scoped3A : memref<!tpu.dma_semaphore, #tpu.memory_space<semaphore_mem>>)
      %dma_wait3A = arith.constant 0 : i32
      %dma_wait3A_12 = tpu.memref_slice %arg4[%mul3A_2, %dma_wait3A] : memref<2048x512xf32, #tpu.memory_space<hbm>> -> memref<64x512xf32, #tpu.memory_space<hbm>>
      %dma_wait3A_13 = arith.constant 0 : i32
      %dma_wait3A_14 = tpu.memref_slice %arg4[%mul3A_2, %dma_wait3A_13] : memref<2048x512xf32, #tpu.memory_space<hbm>> -> memref<64x512xf32, #tpu.memory_space<hbm>>
      tpu.wait_dma2 semaphore(%run_scoped3A : memref<!tpu.dma_semaphore, #tpu.memory_space<semaphore_mem>>) src(%arg7 : memref<64x512xf32, #tpu.memory_space<vmem>>) dst(%dma_wait3A_14 : memref<64x512xf32, #tpu.memory_space<hbm>>)
      tpu.yield
    }) : () -> ()
    return
  }
}

#map = affine_map<(d0, d1) -> (0)>
#map1 = affine_map<(d0, d1) -> (0, 0)>
module attributes {stable_mosaic.version = 14 : i64} {
  func.func @_knn_tile_body(%arg0: i32, %arg1: i32, %arg2: memref<8192xf32, #tpu.memory_space<hbm>>, %arg3: memref<8192xf32, #tpu.memory_space<hbm>>, %arg4: memref<8192xf32, #tpu.memory_space<hbm>>, %arg5: memref<2048xf32, #tpu.memory_space<hbm>>, %arg6: memref<2048xf32, #tpu.memory_space<hbm>>, %arg7: memref<2048xf32, #tpu.memory_space<hbm>>, %arg8: memref<2048x16xi32, #tpu.memory_space<hbm>>, %arg9: memref<8192xf32, #tpu.memory_space<vmem>>, %arg10: memref<8192xf32, #tpu.memory_space<vmem>>, %arg11: memref<8192xf32, #tpu.memory_space<vmem>>, %arg12: memref<64xf32, #tpu.memory_space<vmem>>, %arg13: memref<64xf32, #tpu.memory_space<vmem>>, %arg14: memref<64xf32, #tpu.memory_space<vmem>>, %arg15: memref<64x16xi32, #tpu.memory_space<vmem>>) attributes {dimension_semantics = [#tpu.dimension_semantics<core_parallel>, #tpu.dimension_semantics<subcore_parallel>], iteration_bounds = array<i64: 2, 16>, scalar_prefetch = 0 : i64, scratch_operands = 7 : i64, tpu.core_type = #tpu.core_type<sc_vector_subcore>, window_params = [{transform_indices = #map}, {transform_indices = #map}, {transform_indices = #map}, {transform_indices = #map}, {transform_indices = #map}, {transform_indices = #map}, {transform_indices = #map1}]} {
    %mul3A = arith.constant 2 : i32
    %mul3A_0 = arith.muli %arg1, %mul3A : i32
    %add3A = arith.addi %mul3A_0, %arg0 : i32
    %mul3A_1 = arith.constant 64 : i32
    %mul3A_2 = arith.muli %add3A, %mul3A_1 : i32
    "tpu.region"() ({
      %run_scoped3A = tpu.sem_alloc : memref<!tpu.dma_semaphore, #tpu.memory_space<semaphore_mem>>
      tpu.enqueue_dma source(%arg2 : memref<8192xf32, #tpu.memory_space<hbm>>) target(%arg9 : memref<8192xf32, #tpu.memory_space<vmem>>) target_semaphore(%run_scoped3A : memref<!tpu.dma_semaphore, #tpu.memory_space<semaphore_mem>>)
      tpu.wait_dma2 semaphore(%run_scoped3A : memref<!tpu.dma_semaphore, #tpu.memory_space<semaphore_mem>>) src(%arg2 : memref<8192xf32, #tpu.memory_space<hbm>>) dst(%arg9 : memref<8192xf32, #tpu.memory_space<vmem>>)
      tpu.yield
    }) : () -> ()
    "tpu.region"() ({
      %run_scoped3A = tpu.sem_alloc : memref<!tpu.dma_semaphore, #tpu.memory_space<semaphore_mem>>
      tpu.enqueue_dma source(%arg3 : memref<8192xf32, #tpu.memory_space<hbm>>) target(%arg10 : memref<8192xf32, #tpu.memory_space<vmem>>) target_semaphore(%run_scoped3A : memref<!tpu.dma_semaphore, #tpu.memory_space<semaphore_mem>>)
      tpu.wait_dma2 semaphore(%run_scoped3A : memref<!tpu.dma_semaphore, #tpu.memory_space<semaphore_mem>>) src(%arg3 : memref<8192xf32, #tpu.memory_space<hbm>>) dst(%arg10 : memref<8192xf32, #tpu.memory_space<vmem>>)
      tpu.yield
    }) : () -> ()
    "tpu.region"() ({
      %run_scoped3A = tpu.sem_alloc : memref<!tpu.dma_semaphore, #tpu.memory_space<semaphore_mem>>
      tpu.enqueue_dma source(%arg4 : memref<8192xf32, #tpu.memory_space<hbm>>) target(%arg11 : memref<8192xf32, #tpu.memory_space<vmem>>) target_semaphore(%run_scoped3A : memref<!tpu.dma_semaphore, #tpu.memory_space<semaphore_mem>>)
      tpu.wait_dma2 semaphore(%run_scoped3A : memref<!tpu.dma_semaphore, #tpu.memory_space<semaphore_mem>>) src(%arg4 : memref<8192xf32, #tpu.memory_space<hbm>>) dst(%arg11 : memref<8192xf32, #tpu.memory_space<vmem>>)
      tpu.yield
    }) : () -> ()
    "tpu.region"() ({
      %run_scoped3A = tpu.sem_alloc : memref<!tpu.dma_semaphore, #tpu.memory_space<semaphore_mem>>
      %dma_start3A = tpu.memref_slice %arg5[%mul3A_2] : memref<2048xf32, #tpu.memory_space<hbm>> -> memref<64xf32, #tpu.memory_space<hbm>>
      %dma_start3A_57 = tpu.memref_slice %arg5[%mul3A_2] : memref<2048xf32, #tpu.memory_space<hbm>> -> memref<64xf32, #tpu.memory_space<hbm>>
      tpu.enqueue_dma source(%dma_start3A_57 : memref<64xf32, #tpu.memory_space<hbm>>) target(%arg12 : memref<64xf32, #tpu.memory_space<vmem>>) target_semaphore(%run_scoped3A : memref<!tpu.dma_semaphore, #tpu.memory_space<semaphore_mem>>)
      %dma_wait3A = tpu.memref_slice %arg5[%mul3A_2] : memref<2048xf32, #tpu.memory_space<hbm>> -> memref<64xf32, #tpu.memory_space<hbm>>
      %dma_wait3A_58 = tpu.memref_slice %arg5[%mul3A_2] : memref<2048xf32, #tpu.memory_space<hbm>> -> memref<64xf32, #tpu.memory_space<hbm>>
      tpu.wait_dma2 semaphore(%run_scoped3A : memref<!tpu.dma_semaphore, #tpu.memory_space<semaphore_mem>>) src(%dma_wait3A_58 : memref<64xf32, #tpu.memory_space<hbm>>) dst(%arg12 : memref<64xf32, #tpu.memory_space<vmem>>)
      tpu.yield
    }) : () -> ()
    "tpu.region"() ({
      %run_scoped3A = tpu.sem_alloc : memref<!tpu.dma_semaphore, #tpu.memory_space<semaphore_mem>>
      %dma_start3A = tpu.memref_slice %arg6[%mul3A_2] : memref<2048xf32, #tpu.memory_space<hbm>> -> memref<64xf32, #tpu.memory_space<hbm>>
      %dma_start3A_57 = tpu.memref_slice %arg6[%mul3A_2] : memref<2048xf32, #tpu.memory_space<hbm>> -> memref<64xf32, #tpu.memory_space<hbm>>
      tpu.enqueue_dma source(%dma_start3A_57 : memref<64xf32, #tpu.memory_space<hbm>>) target(%arg13 : memref<64xf32, #tpu.memory_space<vmem>>) target_semaphore(%run_scoped3A : memref<!tpu.dma_semaphore, #tpu.memory_space<semaphore_mem>>)
      %dma_wait3A = tpu.memref_slice %arg6[%mul3A_2] : memref<2048xf32, #tpu.memory_space<hbm>> -> memref<64xf32, #tpu.memory_space<hbm>>
      %dma_wait3A_58 = tpu.memref_slice %arg6[%mul3A_2] : memref<2048xf32, #tpu.memory_space<hbm>> -> memref<64xf32, #tpu.memory_space<hbm>>
      tpu.wait_dma2 semaphore(%run_scoped3A : memref<!tpu.dma_semaphore, #tpu.memory_space<semaphore_mem>>) src(%dma_wait3A_58 : memref<64xf32, #tpu.memory_space<hbm>>) dst(%arg13 : memref<64xf32, #tpu.memory_space<vmem>>)
      tpu.yield
    }) : () -> ()
    "tpu.region"() ({
      %run_scoped3A = tpu.sem_alloc : memref<!tpu.dma_semaphore, #tpu.memory_space<semaphore_mem>>
      %dma_start3A = tpu.memref_slice %arg7[%mul3A_2] : memref<2048xf32, #tpu.memory_space<hbm>> -> memref<64xf32, #tpu.memory_space<hbm>>
      %dma_start3A_57 = tpu.memref_slice %arg7[%mul3A_2] : memref<2048xf32, #tpu.memory_space<hbm>> -> memref<64xf32, #tpu.memory_space<hbm>>
      tpu.enqueue_dma source(%dma_start3A_57 : memref<64xf32, #tpu.memory_space<hbm>>) target(%arg14 : memref<64xf32, #tpu.memory_space<vmem>>) target_semaphore(%run_scoped3A : memref<!tpu.dma_semaphore, #tpu.memory_space<semaphore_mem>>)
      %dma_wait3A = tpu.memref_slice %arg7[%mul3A_2] : memref<2048xf32, #tpu.memory_space<hbm>> -> memref<64xf32, #tpu.memory_space<hbm>>
      %dma_wait3A_58 = tpu.memref_slice %arg7[%mul3A_2] : memref<2048xf32, #tpu.memory_space<hbm>> -> memref<64xf32, #tpu.memory_space<hbm>>
      tpu.wait_dma2 semaphore(%run_scoped3A : memref<!tpu.dma_semaphore, #tpu.memory_space<semaphore_mem>>) src(%dma_wait3A_58 : memref<64xf32, #tpu.memory_space<hbm>>) dst(%arg14 : memref<64xf32, #tpu.memory_space<vmem>>)
      tpu.yield
    }) : () -> ()
    %get3A = arith.constant 0 : index
    %get3A_3 = tpu.vector_load %arg12[%get3A] {strides = array<i32>} : memref<64xf32, #tpu.memory_space<vmem>>, vector<16xf32>,
    %get3A_4 = arith.constant 0 : index
    %get3A_5 = tpu.vector_load %arg13[%get3A_4] {strides = array<i32>} : memref<64xf32, #tpu.memory_space<vmem>>, vector<16xf32>,
    %get3A_6 = arith.constant 0 : index
    %get3A_7 = tpu.vector_load %arg14[%get3A_6] {strides = array<i32>} : memref<64xf32, #tpu.memory_space<vmem>>, vector<16xf32>,
    %scan3A = arith.constant 0x7F800000 : f32
    %scan3A_8 = arith.constant 0 : i32
    %scan3A_9 = arith.constant 0 : i32
    %scan3A_10 = arith.constant 16 : i32
    %scan3A_11 = arith.addi %scan3A_9, %scan3A_10 : i32
    %scan3A_12 = arith.constant 1 : i32
    %scan3A_13 = scf.for %scan3A_57 = %scan3A_9 to %scan3A_11 step %scan3A_12 iter_args(%scan3A_58 = %scan3A_8) -> (i32)  : i32 {
      %broadcast_in_dim3A = vector.broadcast %scan3A_57 : i32 to vector<16x1xi32>
      %gather3A = vector.shape_cast %broadcast_in_dim3A : vector<16x1xi32> to vector<16xi32>
      %gather3A_59 = tpu.dynamic_gather %get3A_3[%gather3A] in [0] : vector<16xf32>, vector<16xi32> -> vector<16xf32>
      %broadcast_in_dim3A_60 = vector.broadcast %scan3A_57 : i32 to vector<16x1xi32>
      %gather3A_61 = vector.shape_cast %broadcast_in_dim3A_60 : vector<16x1xi32> to vector<16xi32>
      %gather3A_62 = tpu.dynamic_gather %get3A_5[%gather3A_61] in [0] : vector<16xf32>, vector<16xi32> -> vector<16xf32>
      %broadcast_in_dim3A_63 = vector.broadcast %scan3A_57 : i32 to vector<16x1xi32>
      %gather3A_64 = vector.shape_cast %broadcast_in_dim3A_63 : vector<16x1xi32> to vector<16xi32>
      %gather3A_65 = tpu.dynamic_gather %get3A_7[%gather3A_64] in [0] : vector<16xf32>, vector<16xi32> -> vector<16xf32>
      %broadcast_in_dim3A_66 = vector.broadcast %scan3A : f32 to vector<16xf32>
      %broadcast_in_dim3A_67 = arith.constant 0 : i32
      %broadcast_in_dim3A_68 = vector.broadcast %broadcast_in_dim3A_67 : i32 to vector<16xi32>
      %broadcast_in_dim3A_69 = vector.broadcast %scan3A : f32 to vector<16xf32>
      %scan3A_70 = arith.constant 0 : i32
      %scan3A_71 = arith.constant 512 : i32
      %scan3A_72 = arith.addi %scan3A_70, %scan3A_71 : i32
      %scan3A_73 = arith.constant 1 : i32
      %scan3A_74:3 = scf.for %scan3A_81 = %scan3A_70 to %scan3A_72 step %scan3A_73 iter_args(%scan3A_82 = %broadcast_in_dim3A_66, %scan3A_83 = %broadcast_in_dim3A_68, %scan3A_84 = %broadcast_in_dim3A_69) -> (vector<16xf32>, vector<16xi32>, vector<16xf32>)  : i32 {
        %mul3A_85 = arith.constant 16 : i32
        %mul3A_86 = arith.muli %scan3A_81, %mul3A_85 : i32
        %get3A_87 = arith.index_cast %mul3A_86 : i32 to index
        %get3A_88 = tpu.vector_load %arg9[%get3A_87] {strides = array<i32>} : memref<8192xf32, #tpu.memory_space<vmem>>, vector<16xf32>,
        %sub3A = arith.subf %get3A_88, %gather3A_59 : vector<16xf32>
        %get3A_89 = arith.index_cast %mul3A_86 : i32 to index
        %get3A_90 = tpu.vector_load %arg10[%get3A_89] {strides = array<i32>} : memref<8192xf32, #tpu.memory_space<vmem>>, vector<16xf32>,
        %sub3A_91 = arith.subf %get3A_90, %gather3A_62 : vector<16xf32>
        %get3A_92 = arith.index_cast %mul3A_86 : i32 to index
        %get3A_93 = tpu.vector_load %arg11[%get3A_92] {strides = array<i32>} : memref<8192xf32, #tpu.memory_space<vmem>>, vector<16xf32>,
        %sub3A_94 = arith.subf %get3A_93, %gather3A_65 : vector<16xf32>
        %mul3A_95 = arith.mulf %sub3A, %sub3A : vector<16xf32>
        %mul3A_96 = arith.mulf %sub3A_94, %sub3A_94 : vector<16xf32>
        %add3A_97 = arith.addf %mul3A_95, %mul3A_96 : vector<16xf32>
        %mul3A_98 = arith.mulf %sub3A_91, %sub3A_91 : vector<16xf32>
        %add3A_99 = arith.addf %add3A_97, %mul3A_98 : vector<16xf32>
        %lt3A = arith.cmpf olt, %add3A_99, %scan3A_84 : vector<16xf32>
        %reduce_or3A = arith.constant 1.000000e+00 : f32
        %reduce_or3A_100 = arith.constant 0.000000e+00 : f32
        %reduce_or3A_101 = vector.broadcast %reduce_or3A : f32 to vector<16xf32>
        %reduce_or3A_102 = vector.broadcast %reduce_or3A_100 : f32 to vector<16xf32>
        %reduce_or3A_103 = arith.select %lt3A, %reduce_or3A_101, %reduce_or3A_102 : vector<16xi1>, vector<16xf32>
        %reduce_or3A_104 = arith.constant true
        %reduce_or3A_105 = vector.broadcast %reduce_or3A_104 : i1 to vector<16xi1>
        %reduce_or3A_106 = tpu.scan <max>, %reduce_or3A_103 masked %reduce_or3A_105 : vector<16xf32>, vector<16xi1> -> vector<16xf32>
        %reduce_or3A_107 = vector.extract %reduce_or3A_106[15] : f32 from vector<16xf32>
        %reduce_or3A_108 = arith.constant 0.000000e+00 : f32
        %reduce_or3A_109 = arith.cmpf ogt, %reduce_or3A_107, %reduce_or3A_108 : f32
        %convert_element_type3A = arith.extui %reduce_or3A_109 : i1 to i32
        %cond3A = arith.constant 0 : i32
        %cond3A_110 = arith.cmpi ne, %convert_element_type3A, %cond3A : i32
        %cond3A_111:3 = scf.if %cond3A_110 -> (vector<16xf32>, vector<16xi32>, vector<16xf32>) {
          %iota3A = tpu.iota {dimensions = array<i32: 0>} : vector<16xi32>
          %add3A_112 = vector.broadcast %mul3A_86 : i32 to vector<16xi32>
          %add3A_113 = arith.addi %add3A_112, %iota3A : vector<16xi32>
          %masked_sort3A = arith.constant dense<true> : vector<16xi1>
          %masked_sort3A_114, %masked_sort3A_115, %masked_sort3A_116 = tpu.sort %add3A_99, %add3A_113 masked %masked_sort3A : (vector<16xf32>, vector<16xi32>, vector<16xi1>) -> (vector<16xi1>, vector<16xf32>, vector<16xi32>)
          %rev3A = arith.constant 15 : i32
          %rev3A_117 = vector.broadcast %rev3A : i32 to vector<16xi32>
          %rev3A_118 = tpu.iota {dimensions = array<i32: 0>} : vector<16xi32>
          %rev3A_119 = arith.subi %rev3A_117, %rev3A_118 : vector<16xi32>
          %rev3A_120 = tpu.dynamic_gather %masked_sort3A_115[%rev3A_119] in [0] : vector<16xf32>, vector<16xi32> -> vector<16xf32>
          %rev3A_121 = arith.constant 15 : i32
          %rev3A_122 = vector.broadcast %rev3A_121 : i32 to vector<16xi32>
          %rev3A_123 = tpu.iota {dimensions = array<i32: 0>} : vector<16xi32>
          %rev3A_124 = arith.subi %rev3A_122, %rev3A_123 : vector<16xi32>
          %rev3A_125 = tpu.dynamic_gather %masked_sort3A_116[%rev3A_124] in [0] : vector<16xi32>, vector<16xi32> -> vector<16xi32>
          %le3A = arith.cmpf ole, %scan3A_82, %rev3A_120 : vector<16xf32>
          %select_n3A = arith.select %le3A, %scan3A_82, %rev3A_120 : vector<16xi1>, vector<16xf32>
          %select_n3A_126 = arith.select %le3A, %scan3A_83, %rev3A_125 : vector<16xi1>, vector<16xi32>
          %masked_sort3A_127 = arith.constant dense<true> : vector<16xi1>
          %masked_sort3A_128, %masked_sort3A_129, %masked_sort3A_130 = tpu.sort %select_n3A, %select_n3A_126 masked %masked_sort3A_127 : (vector<16xf32>, vector<16xi32>, vector<16xi1>) -> (vector<16xi1>, vector<16xf32>, vector<16xi32>)
          %broadcast_in_dim3A_131 = arith.constant 15 : i32
          %broadcast_in_dim3A_132 = vector.broadcast %broadcast_in_dim3A_131 : i32 to vector<16x1xi32>
          %gather3A_133 = vector.shape_cast %broadcast_in_dim3A_132 : vector<16x1xi32> to vector<16xi32>
          %gather3A_134 = tpu.dynamic_gather %masked_sort3A_129[%gather3A_133] in [0] : vector<16xf32>, vector<16xi32> -> vector<16xf32>
          scf.yield %masked_sort3A_129, %masked_sort3A_130, %gather3A_134 : vector<16xf32>, vector<16xi32>, vector<16xf32>
        } else {
          scf.yield %scan3A_82, %scan3A_83, %scan3A_84 : vector<16xf32>, vector<16xi32>, vector<16xf32>
        }
        scf.yield %cond3A_111#0, %cond3A_111#1, %cond3A_111#2 : vector<16xf32>, vector<16xi32>, vector<16xf32>
      }
      %scan3A_75 = arith.constant 512 : i32
      %add3A_76 = arith.constant 0 : i32
      %add3A_77 = arith.addi %add3A_76, %scan3A_57 : i32
      %swap3A = arith.index_cast %add3A_77 : i32 to index
      %swap3A_78 = arith.constant 0 : index
      %swap3A_79 = tpu.vector_load %arg15[%swap3A, %swap3A_78] {strides = array<i32>} : memref<64x16xi32, #tpu.memory_space<vmem>>, vector<16xi32>,
      tpu.vector_store %arg15[%swap3A, %swap3A_78], %scan3A_74#1 {strides = array<i32>} : memref<64x16xi32, #tpu.memory_space<vmem>>, vector<16xi32>,
      %scan3A_80 = arith.constant 0 : i32
      scf.yield %scan3A_80 : i32
    }
    %scan3A_14 = arith.constant 16 : i32
    %get3A_15 = arith.constant 16 : index
    %get3A_16 = tpu.vector_load %arg12[%get3A_15] {strides = array<i32>} : memref<64xf32, #tpu.memory_space<vmem>>, vector<16xf32>,
    %get3A_17 = arith.constant 16 : index
    %get3A_18 = tpu.vector_load %arg13[%get3A_17] {strides = array<i32>} : memref<64xf32, #tpu.memory_space<vmem>>, vector<16xf32>,
    %get3A_19 = arith.constant 16 : index
    %get3A_20 = tpu.vector_load %arg14[%get3A_19] {strides = array<i32>} : memref<64xf32, #tpu.memory_space<vmem>>, vector<16xf32>,
    %scan3A_21 = arith.constant 0x7F800000 : f32
    %scan3A_22 = arith.constant 0 : i32
    %scan3A_23 = arith.constant 0 : i32
    %scan3A_24 = arith.constant 16 : i32
    %scan3A_25 = arith.addi %scan3A_23, %scan3A_24 : i32
    %scan3A_26 = arith.constant 1 : i32
    %scan3A_27 = scf.for %scan3A_57 = %scan3A_23 to %scan3A_25 step %scan3A_26 iter_args(%scan3A_58 = %scan3A_22) -> (i32)  : i32 {
      %broadcast_in_dim3A = vector.broadcast %scan3A_57 : i32 to vector<16x1xi32>
      %gather3A = vector.shape_cast %broadcast_in_dim3A : vector<16x1xi32> to vector<16xi32>
      %gather3A_59 = tpu.dynamic_gather %get3A_16[%gather3A] in [0] : vector<16xf32>, vector<16xi32> -> vector<16xf32>
      %broadcast_in_dim3A_60 = vector.broadcast %scan3A_57 : i32 to vector<16x1xi32>
      %gather3A_61 = vector.shape_cast %broadcast_in_dim3A_60 : vector<16x1xi32> to vector<16xi32>
      %gather3A_62 = tpu.dynamic_gather %get3A_18[%gather3A_61] in [0] : vector<16xf32>, vector<16xi32> -> vector<16xf32>
      %broadcast_in_dim3A_63 = vector.broadcast %scan3A_57 : i32 to vector<16x1xi32>
      %gather3A_64 = vector.shape_cast %broadcast_in_dim3A_63 : vector<16x1xi32> to vector<16xi32>
      %gather3A_65 = tpu.dynamic_gather %get3A_20[%gather3A_64] in [0] : vector<16xf32>, vector<16xi32> -> vector<16xf32>
      %broadcast_in_dim3A_66 = vector.broadcast %scan3A_21 : f32 to vector<16xf32>
      %broadcast_in_dim3A_67 = arith.constant 0 : i32
      %broadcast_in_dim3A_68 = vector.broadcast %broadcast_in_dim3A_67 : i32 to vector<16xi32>
      %broadcast_in_dim3A_69 = vector.broadcast %scan3A_21 : f32 to vector<16xf32>
      %scan3A_70 = arith.constant 0 : i32
      %scan3A_71 = arith.constant 512 : i32
      %scan3A_72 = arith.addi %scan3A_70, %scan3A_71 : i32
      %scan3A_73 = arith.constant 1 : i32
      %scan3A_74:3 = scf.for %scan3A_81 = %scan3A_70 to %scan3A_72 step %scan3A_73 iter_args(%scan3A_82 = %broadcast_in_dim3A_66, %scan3A_83 = %broadcast_in_dim3A_68, %scan3A_84 = %broadcast_in_dim3A_69) -> (vector<16xf32>, vector<16xi32>, vector<16xf32>)  : i32 {
        %mul3A_85 = arith.constant 16 : i32
        %mul3A_86 = arith.muli %scan3A_81, %mul3A_85 : i32
        %get3A_87 = arith.index_cast %mul3A_86 : i32 to index
        %get3A_88 = tpu.vector_load %arg9[%get3A_87] {strides = array<i32>} : memref<8192xf32, #tpu.memory_space<vmem>>, vector<16xf32>,
        %sub3A = arith.subf %get3A_88, %gather3A_59 : vector<16xf32>
        %get3A_89 = arith.index_cast %mul3A_86 : i32 to index
        %get3A_90 = tpu.vector_load %arg10[%get3A_89] {strides = array<i32>} : memref<8192xf32, #tpu.memory_space<vmem>>, vector<16xf32>,
        %sub3A_91 = arith.subf %get3A_90, %gather3A_62 : vector<16xf32>
        %get3A_92 = arith.index_cast %mul3A_86 : i32 to index
        %get3A_93 = tpu.vector_load %arg11[%get3A_92] {strides = array<i32>} : memref<8192xf32, #tpu.memory_space<vmem>>, vector<16xf32>,
        %sub3A_94 = arith.subf %get3A_93, %gather3A_65 : vector<16xf32>
        %mul3A_95 = arith.mulf %sub3A, %sub3A : vector<16xf32>
        %mul3A_96 = arith.mulf %sub3A_94, %sub3A_94 : vector<16xf32>
        %add3A_97 = arith.addf %mul3A_95, %mul3A_96 : vector<16xf32>
        %mul3A_98 = arith.mulf %sub3A_91, %sub3A_91 : vector<16xf32>
        %add3A_99 = arith.addf %add3A_97, %mul3A_98 : vector<16xf32>
        %lt3A = arith.cmpf olt, %add3A_99, %scan3A_84 : vector<16xf32>
        %reduce_or3A = arith.constant 1.000000e+00 : f32
        %reduce_or3A_100 = arith.constant 0.000000e+00 : f32
        %reduce_or3A_101 = vector.broadcast %reduce_or3A : f32 to vector<16xf32>
        %reduce_or3A_102 = vector.broadcast %reduce_or3A_100 : f32 to vector<16xf32>
        %reduce_or3A_103 = arith.select %lt3A, %reduce_or3A_101, %reduce_or3A_102 : vector<16xi1>, vector<16xf32>
        %reduce_or3A_104 = arith.constant true
        %reduce_or3A_105 = vector.broadcast %reduce_or3A_104 : i1 to vector<16xi1>
        %reduce_or3A_106 = tpu.scan <max>, %reduce_or3A_103 masked %reduce_or3A_105 : vector<16xf32>, vector<16xi1> -> vector<16xf32>
        %reduce_or3A_107 = vector.extract %reduce_or3A_106[15] : f32 from vector<16xf32>
        %reduce_or3A_108 = arith.constant 0.000000e+00 : f32
        %reduce_or3A_109 = arith.cmpf ogt, %reduce_or3A_107, %reduce_or3A_108 : f32
        %convert_element_type3A = arith.extui %reduce_or3A_109 : i1 to i32
        %cond3A = arith.constant 0 : i32
        %cond3A_110 = arith.cmpi ne, %convert_element_type3A, %cond3A : i32
        %cond3A_111:3 = scf.if %cond3A_110 -> (vector<16xf32>, vector<16xi32>, vector<16xf32>) {
          %iota3A = tpu.iota {dimensions = array<i32: 0>} : vector<16xi32>
          %add3A_112 = vector.broadcast %mul3A_86 : i32 to vector<16xi32>
          %add3A_113 = arith.addi %add3A_112, %iota3A : vector<16xi32>
          %masked_sort3A = arith.constant dense<true> : vector<16xi1>
          %masked_sort3A_114, %masked_sort3A_115, %masked_sort3A_116 = tpu.sort %add3A_99, %add3A_113 masked %masked_sort3A : (vector<16xf32>, vector<16xi32>, vector<16xi1>) -> (vector<16xi1>, vector<16xf32>, vector<16xi32>)
          %rev3A = arith.constant 15 : i32
          %rev3A_117 = vector.broadcast %rev3A : i32 to vector<16xi32>
          %rev3A_118 = tpu.iota {dimensions = array<i32: 0>} : vector<16xi32>
          %rev3A_119 = arith.subi %rev3A_117, %rev3A_118 : vector<16xi32>
          %rev3A_120 = tpu.dynamic_gather %masked_sort3A_115[%rev3A_119] in [0] : vector<16xf32>, vector<16xi32> -> vector<16xf32>
          %rev3A_121 = arith.constant 15 : i32
          %rev3A_122 = vector.broadcast %rev3A_121 : i32 to vector<16xi32>
          %rev3A_123 = tpu.iota {dimensions = array<i32: 0>} : vector<16xi32>
          %rev3A_124 = arith.subi %rev3A_122, %rev3A_123 : vector<16xi32>
          %rev3A_125 = tpu.dynamic_gather %masked_sort3A_116[%rev3A_124] in [0] : vector<16xi32>, vector<16xi32> -> vector<16xi32>
          %le3A = arith.cmpf ole, %scan3A_82, %rev3A_120 : vector<16xf32>
          %select_n3A = arith.select %le3A, %scan3A_82, %rev3A_120 : vector<16xi1>, vector<16xf32>
          %select_n3A_126 = arith.select %le3A, %scan3A_83, %rev3A_125 : vector<16xi1>, vector<16xi32>
          %masked_sort3A_127 = arith.constant dense<true> : vector<16xi1>
          %masked_sort3A_128, %masked_sort3A_129, %masked_sort3A_130 = tpu.sort %select_n3A, %select_n3A_126 masked %masked_sort3A_127 : (vector<16xf32>, vector<16xi32>, vector<16xi1>) -> (vector<16xi1>, vector<16xf32>, vector<16xi32>)
          %broadcast_in_dim3A_131 = arith.constant 15 : i32
          %broadcast_in_dim3A_132 = vector.broadcast %broadcast_in_dim3A_131 : i32 to vector<16x1xi32>
          %gather3A_133 = vector.shape_cast %broadcast_in_dim3A_132 : vector<16x1xi32> to vector<16xi32>
          %gather3A_134 = tpu.dynamic_gather %masked_sort3A_129[%gather3A_133] in [0] : vector<16xf32>, vector<16xi32> -> vector<16xf32>
          scf.yield %masked_sort3A_129, %masked_sort3A_130, %gather3A_134 : vector<16xf32>, vector<16xi32>, vector<16xf32>
        } else {
          scf.yield %scan3A_82, %scan3A_83, %scan3A_84 : vector<16xf32>, vector<16xi32>, vector<16xf32>
        }
        scf.yield %cond3A_111#0, %cond3A_111#1, %cond3A_111#2 : vector<16xf32>, vector<16xi32>, vector<16xf32>
      }
      %scan3A_75 = arith.constant 512 : i32
      %add3A_76 = arith.constant 16 : i32
      %add3A_77 = arith.addi %add3A_76, %scan3A_57 : i32
      %swap3A = arith.index_cast %add3A_77 : i32 to index
      %swap3A_78 = arith.constant 0 : index
      %swap3A_79 = tpu.vector_load %arg15[%swap3A, %swap3A_78] {strides = array<i32>} : memref<64x16xi32, #tpu.memory_space<vmem>>, vector<16xi32>,
      tpu.vector_store %arg15[%swap3A, %swap3A_78], %scan3A_74#1 {strides = array<i32>} : memref<64x16xi32, #tpu.memory_space<vmem>>, vector<16xi32>,
      %scan3A_80 = arith.constant 0 : i32
      scf.yield %scan3A_80 : i32
    }
    %scan3A_28 = arith.constant 16 : i32
    %get3A_29 = arith.constant 32 : index
    %get3A_30 = tpu.vector_load %arg12[%get3A_29] {strides = array<i32>} : memref<64xf32, #tpu.memory_space<vmem>>, vector<16xf32>,
    %get3A_31 = arith.constant 32 : index
    %get3A_32 = tpu.vector_load %arg13[%get3A_31] {strides = array<i32>} : memref<64xf32, #tpu.memory_space<vmem>>, vector<16xf32>,
    %get3A_33 = arith.constant 32 : index
    %get3A_34 = tpu.vector_load %arg14[%get3A_33] {strides = array<i32>} : memref<64xf32, #tpu.memory_space<vmem>>, vector<16xf32>,
    %scan3A_35 = arith.constant 0x7F800000 : f32
    %scan3A_36 = arith.constant 0 : i32
    %scan3A_37 = arith.constant 0 : i32
    %scan3A_38 = arith.constant 16 : i32
    %scan3A_39 = arith.addi %scan3A_37, %scan3A_38 : i32
    %scan3A_40 = arith.constant 1 : i32
    %scan3A_41 = scf.for %scan3A_57 = %scan3A_37 to %scan3A_39 step %scan3A_40 iter_args(%scan3A_58 = %scan3A_36) -> (i32)  : i32 {
      %broadcast_in_dim3A = vector.broadcast %scan3A_57 : i32 to vector<16x1xi32>
      %gather3A = vector.shape_cast %broadcast_in_dim3A : vector<16x1xi32> to vector<16xi32>
      %gather3A_59 = tpu.dynamic_gather %get3A_30[%gather3A] in [0] : vector<16xf32>, vector<16xi32> -> vector<16xf32>
      %broadcast_in_dim3A_60 = vector.broadcast %scan3A_57 : i32 to vector<16x1xi32>
      %gather3A_61 = vector.shape_cast %broadcast_in_dim3A_60 : vector<16x1xi32> to vector<16xi32>
      %gather3A_62 = tpu.dynamic_gather %get3A_32[%gather3A_61] in [0] : vector<16xf32>, vector<16xi32> -> vector<16xf32>
      %broadcast_in_dim3A_63 = vector.broadcast %scan3A_57 : i32 to vector<16x1xi32>
      %gather3A_64 = vector.shape_cast %broadcast_in_dim3A_63 : vector<16x1xi32> to vector<16xi32>
      %gather3A_65 = tpu.dynamic_gather %get3A_34[%gather3A_64] in [0] : vector<16xf32>, vector<16xi32> -> vector<16xf32>
      %broadcast_in_dim3A_66 = vector.broadcast %scan3A_35 : f32 to vector<16xf32>
      %broadcast_in_dim3A_67 = arith.constant 0 : i32
      %broadcast_in_dim3A_68 = vector.broadcast %broadcast_in_dim3A_67 : i32 to vector<16xi32>
      %broadcast_in_dim3A_69 = vector.broadcast %scan3A_35 : f32 to vector<16xf32>
      %scan3A_70 = arith.constant 0 : i32
      %scan3A_71 = arith.constant 512 : i32
      %scan3A_72 = arith.addi %scan3A_70, %scan3A_71 : i32
      %scan3A_73 = arith.constant 1 : i32
      %scan3A_74:3 = scf.for %scan3A_81 = %scan3A_70 to %scan3A_72 step %scan3A_73 iter_args(%scan3A_82 = %broadcast_in_dim3A_66, %scan3A_83 = %broadcast_in_dim3A_68, %scan3A_84 = %broadcast_in_dim3A_69) -> (vector<16xf32>, vector<16xi32>, vector<16xf32>)  : i32 {
        %mul3A_85 = arith.constant 16 : i32
        %mul3A_86 = arith.muli %scan3A_81, %mul3A_85 : i32
        %get3A_87 = arith.index_cast %mul3A_86 : i32 to index
        %get3A_88 = tpu.vector_load %arg9[%get3A_87] {strides = array<i32>} : memref<8192xf32, #tpu.memory_space<vmem>>, vector<16xf32>,
        %sub3A = arith.subf %get3A_88, %gather3A_59 : vector<16xf32>
        %get3A_89 = arith.index_cast %mul3A_86 : i32 to index
        %get3A_90 = tpu.vector_load %arg10[%get3A_89] {strides = array<i32>} : memref<8192xf32, #tpu.memory_space<vmem>>, vector<16xf32>,
        %sub3A_91 = arith.subf %get3A_90, %gather3A_62 : vector<16xf32>
        %get3A_92 = arith.index_cast %mul3A_86 : i32 to index
        %get3A_93 = tpu.vector_load %arg11[%get3A_92] {strides = array<i32>} : memref<8192xf32, #tpu.memory_space<vmem>>, vector<16xf32>,
        %sub3A_94 = arith.subf %get3A_93, %gather3A_65 : vector<16xf32>
        %mul3A_95 = arith.mulf %sub3A, %sub3A : vector<16xf32>
        %mul3A_96 = arith.mulf %sub3A_94, %sub3A_94 : vector<16xf32>
        %add3A_97 = arith.addf %mul3A_95, %mul3A_96 : vector<16xf32>
        %mul3A_98 = arith.mulf %sub3A_91, %sub3A_91 : vector<16xf32>
        %add3A_99 = arith.addf %add3A_97, %mul3A_98 : vector<16xf32>
        %lt3A = arith.cmpf olt, %add3A_99, %scan3A_84 : vector<16xf32>
        %reduce_or3A = arith.constant 1.000000e+00 : f32
        %reduce_or3A_100 = arith.constant 0.000000e+00 : f32
        %reduce_or3A_101 = vector.broadcast %reduce_or3A : f32 to vector<16xf32>
        %reduce_or3A_102 = vector.broadcast %reduce_or3A_100 : f32 to vector<16xf32>
        %reduce_or3A_103 = arith.select %lt3A, %reduce_or3A_101, %reduce_or3A_102 : vector<16xi1>, vector<16xf32>
        %reduce_or3A_104 = arith.constant true
        %reduce_or3A_105 = vector.broadcast %reduce_or3A_104 : i1 to vector<16xi1>
        %reduce_or3A_106 = tpu.scan <max>, %reduce_or3A_103 masked %reduce_or3A_105 : vector<16xf32>, vector<16xi1> -> vector<16xf32>
        %reduce_or3A_107 = vector.extract %reduce_or3A_106[15] : f32 from vector<16xf32>
        %reduce_or3A_108 = arith.constant 0.000000e+00 : f32
        %reduce_or3A_109 = arith.cmpf ogt, %reduce_or3A_107, %reduce_or3A_108 : f32
        %convert_element_type3A = arith.extui %reduce_or3A_109 : i1 to i32
        %cond3A = arith.constant 0 : i32
        %cond3A_110 = arith.cmpi ne, %convert_element_type3A, %cond3A : i32
        %cond3A_111:3 = scf.if %cond3A_110 -> (vector<16xf32>, vector<16xi32>, vector<16xf32>) {
          %iota3A = tpu.iota {dimensions = array<i32: 0>} : vector<16xi32>
          %add3A_112 = vector.broadcast %mul3A_86 : i32 to vector<16xi32>
          %add3A_113 = arith.addi %add3A_112, %iota3A : vector<16xi32>
          %masked_sort3A = arith.constant dense<true> : vector<16xi1>
          %masked_sort3A_114, %masked_sort3A_115, %masked_sort3A_116 = tpu.sort %add3A_99, %add3A_113 masked %masked_sort3A : (vector<16xf32>, vector<16xi32>, vector<16xi1>) -> (vector<16xi1>, vector<16xf32>, vector<16xi32>)
          %rev3A = arith.constant 15 : i32
          %rev3A_117 = vector.broadcast %rev3A : i32 to vector<16xi32>
          %rev3A_118 = tpu.iota {dimensions = array<i32: 0>} : vector<16xi32>
          %rev3A_119 = arith.subi %rev3A_117, %rev3A_118 : vector<16xi32>
          %rev3A_120 = tpu.dynamic_gather %masked_sort3A_115[%rev3A_119] in [0] : vector<16xf32>, vector<16xi32> -> vector<16xf32>
          %rev3A_121 = arith.constant 15 : i32
          %rev3A_122 = vector.broadcast %rev3A_121 : i32 to vector<16xi32>
          %rev3A_123 = tpu.iota {dimensions = array<i32: 0>} : vector<16xi32>
          %rev3A_124 = arith.subi %rev3A_122, %rev3A_123 : vector<16xi32>
          %rev3A_125 = tpu.dynamic_gather %masked_sort3A_116[%rev3A_124] in [0] : vector<16xi32>, vector<16xi32> -> vector<16xi32>
          %le3A = arith.cmpf ole, %scan3A_82, %rev3A_120 : vector<16xf32>
          %select_n3A = arith.select %le3A, %scan3A_82, %rev3A_120 : vector<16xi1>, vector<16xf32>
          %select_n3A_126 = arith.select %le3A, %scan3A_83, %rev3A_125 : vector<16xi1>, vector<16xi32>
          %masked_sort3A_127 = arith.constant dense<true> : vector<16xi1>
          %masked_sort3A_128, %masked_sort3A_129, %masked_sort3A_130 = tpu.sort %select_n3A, %select_n3A_126 masked %masked_sort3A_127 : (vector<16xf32>, vector<16xi32>, vector<16xi1>) -> (vector<16xi1>, vector<16xf32>, vector<16xi32>)
          %broadcast_in_dim3A_131 = arith.constant 15 : i32
          %broadcast_in_dim3A_132 = vector.broadcast %broadcast_in_dim3A_131 : i32 to vector<16x1xi32>
          %gather3A_133 = vector.shape_cast %broadcast_in_dim3A_132 : vector<16x1xi32> to vector<16xi32>
          %gather3A_134 = tpu.dynamic_gather %masked_sort3A_129[%gather3A_133] in [0] : vector<16xf32>, vector<16xi32> -> vector<16xf32>
          scf.yield %masked_sort3A_129, %masked_sort3A_130, %gather3A_134 : vector<16xf32>, vector<16xi32>, vector<16xf32>
        } else {
          scf.yield %scan3A_82, %scan3A_83, %scan3A_84 : vector<16xf32>, vector<16xi32>, vector<16xf32>
        }
        scf.yield %cond3A_111#0, %cond3A_111#1, %cond3A_111#2 : vector<16xf32>, vector<16xi32>, vector<16xf32>
      }
      %scan3A_75 = arith.constant 512 : i32
      %add3A_76 = arith.constant 32 : i32
      %add3A_77 = arith.addi %add3A_76, %scan3A_57 : i32
      %swap3A = arith.index_cast %add3A_77 : i32 to index
      %swap3A_78 = arith.constant 0 : index
      %swap3A_79 = tpu.vector_load %arg15[%swap3A, %swap3A_78] {strides = array<i32>} : memref<64x16xi32, #tpu.memory_space<vmem>>, vector<16xi32>,
      tpu.vector_store %arg15[%swap3A, %swap3A_78], %scan3A_74#1 {strides = array<i32>} : memref<64x16xi32, #tpu.memory_space<vmem>>, vector<16xi32>,
      %scan3A_80 = arith.constant 0 : i32
      scf.yield %scan3A_80 : i32
    }
    %scan3A_42 = arith.constant 16 : i32
    %get3A_43 = arith.constant 48 : index
    %get3A_44 = tpu.vector_load %arg12[%get3A_43] {strides = array<i32>} : memref<64xf32, #tpu.memory_space<vmem>>, vector<16xf32>,
    %get3A_45 = arith.constant 48 : index
    %get3A_46 = tpu.vector_load %arg13[%get3A_45] {strides = array<i32>} : memref<64xf32, #tpu.memory_space<vmem>>, vector<16xf32>,
    %get3A_47 = arith.constant 48 : index
    %get3A_48 = tpu.vector_load %arg14[%get3A_47] {strides = array<i32>} : memref<64xf32, #tpu.memory_space<vmem>>, vector<16xf32>,
    %scan3A_49 = arith.constant 0x7F800000 : f32
    %scan3A_50 = arith.constant 0 : i32
    %scan3A_51 = arith.constant 0 : i32
    %scan3A_52 = arith.constant 16 : i32
    %scan3A_53 = arith.addi %scan3A_51, %scan3A_52 : i32
    %scan3A_54 = arith.constant 1 : i32
    %scan3A_55 = scf.for %scan3A_57 = %scan3A_51 to %scan3A_53 step %scan3A_54 iter_args(%scan3A_58 = %scan3A_50) -> (i32)  : i32 {
      %broadcast_in_dim3A = vector.broadcast %scan3A_57 : i32 to vector<16x1xi32>
      %gather3A = vector.shape_cast %broadcast_in_dim3A : vector<16x1xi32> to vector<16xi32>
      %gather3A_59 = tpu.dynamic_gather %get3A_44[%gather3A] in [0] : vector<16xf32>, vector<16xi32> -> vector<16xf32>
      %broadcast_in_dim3A_60 = vector.broadcast %scan3A_57 : i32 to vector<16x1xi32>
      %gather3A_61 = vector.shape_cast %broadcast_in_dim3A_60 : vector<16x1xi32> to vector<16xi32>
      %gather3A_62 = tpu.dynamic_gather %get3A_46[%gather3A_61] in [0] : vector<16xf32>, vector<16xi32> -> vector<16xf32>
      %broadcast_in_dim3A_63 = vector.broadcast %scan3A_57 : i32 to vector<16x1xi32>
      %gather3A_64 = vector.shape_cast %broadcast_in_dim3A_63 : vector<16x1xi32> to vector<16xi32>
      %gather3A_65 = tpu.dynamic_gather %get3A_48[%gather3A_64] in [0] : vector<16xf32>, vector<16xi32> -> vector<16xf32>
      %broadcast_in_dim3A_66 = vector.broadcast %scan3A_49 : f32 to vector<16xf32>
      %broadcast_in_dim3A_67 = arith.constant 0 : i32
      %broadcast_in_dim3A_68 = vector.broadcast %broadcast_in_dim3A_67 : i32 to vector<16xi32>
      %broadcast_in_dim3A_69 = vector.broadcast %scan3A_49 : f32 to vector<16xf32>
      %scan3A_70 = arith.constant 0 : i32
      %scan3A_71 = arith.constant 512 : i32
      %scan3A_72 = arith.addi %scan3A_70, %scan3A_71 : i32
      %scan3A_73 = arith.constant 1 : i32
      %scan3A_74:3 = scf.for %scan3A_81 = %scan3A_70 to %scan3A_72 step %scan3A_73 iter_args(%scan3A_82 = %broadcast_in_dim3A_66, %scan3A_83 = %broadcast_in_dim3A_68, %scan3A_84 = %broadcast_in_dim3A_69) -> (vector<16xf32>, vector<16xi32>, vector<16xf32>)  : i32 {
        %mul3A_85 = arith.constant 16 : i32
        %mul3A_86 = arith.muli %scan3A_81, %mul3A_85 : i32
        %get3A_87 = arith.index_cast %mul3A_86 : i32 to index
        %get3A_88 = tpu.vector_load %arg9[%get3A_87] {strides = array<i32>} : memref<8192xf32, #tpu.memory_space<vmem>>, vector<16xf32>,
        %sub3A = arith.subf %get3A_88, %gather3A_59 : vector<16xf32>
        %get3A_89 = arith.index_cast %mul3A_86 : i32 to index
        %get3A_90 = tpu.vector_load %arg10[%get3A_89] {strides = array<i32>} : memref<8192xf32, #tpu.memory_space<vmem>>, vector<16xf32>,
        %sub3A_91 = arith.subf %get3A_90, %gather3A_62 : vector<16xf32>
        %get3A_92 = arith.index_cast %mul3A_86 : i32 to index
        %get3A_93 = tpu.vector_load %arg11[%get3A_92] {strides = array<i32>} : memref<8192xf32, #tpu.memory_space<vmem>>, vector<16xf32>,
        %sub3A_94 = arith.subf %get3A_93, %gather3A_65 : vector<16xf32>
        %mul3A_95 = arith.mulf %sub3A, %sub3A : vector<16xf32>
        %mul3A_96 = arith.mulf %sub3A_94, %sub3A_94 : vector<16xf32>
        %add3A_97 = arith.addf %mul3A_95, %mul3A_96 : vector<16xf32>
        %mul3A_98 = arith.mulf %sub3A_91, %sub3A_91 : vector<16xf32>
        %add3A_99 = arith.addf %add3A_97, %mul3A_98 : vector<16xf32>
        %lt3A = arith.cmpf olt, %add3A_99, %scan3A_84 : vector<16xf32>
        %reduce_or3A = arith.constant 1.000000e+00 : f32
        %reduce_or3A_100 = arith.constant 0.000000e+00 : f32
        %reduce_or3A_101 = vector.broadcast %reduce_or3A : f32 to vector<16xf32>
        %reduce_or3A_102 = vector.broadcast %reduce_or3A_100 : f32 to vector<16xf32>
        %reduce_or3A_103 = arith.select %lt3A, %reduce_or3A_101, %reduce_or3A_102 : vector<16xi1>, vector<16xf32>
        %reduce_or3A_104 = arith.constant true
        %reduce_or3A_105 = vector.broadcast %reduce_or3A_104 : i1 to vector<16xi1>
        %reduce_or3A_106 = tpu.scan <max>, %reduce_or3A_103 masked %reduce_or3A_105 : vector<16xf32>, vector<16xi1> -> vector<16xf32>
        %reduce_or3A_107 = vector.extract %reduce_or3A_106[15] : f32 from vector<16xf32>
        %reduce_or3A_108 = arith.constant 0.000000e+00 : f32
        %reduce_or3A_109 = arith.cmpf ogt, %reduce_or3A_107, %reduce_or3A_108 : f32
        %convert_element_type3A = arith.extui %reduce_or3A_109 : i1 to i32
        %cond3A = arith.constant 0 : i32
        %cond3A_110 = arith.cmpi ne, %convert_element_type3A, %cond3A : i32
        %cond3A_111:3 = scf.if %cond3A_110 -> (vector<16xf32>, vector<16xi32>, vector<16xf32>) {
          %iota3A = tpu.iota {dimensions = array<i32: 0>} : vector<16xi32>
          %add3A_112 = vector.broadcast %mul3A_86 : i32 to vector<16xi32>
          %add3A_113 = arith.addi %add3A_112, %iota3A : vector<16xi32>
          %masked_sort3A = arith.constant dense<true> : vector<16xi1>
          %masked_sort3A_114, %masked_sort3A_115, %masked_sort3A_116 = tpu.sort %add3A_99, %add3A_113 masked %masked_sort3A : (vector<16xf32>, vector<16xi32>, vector<16xi1>) -> (vector<16xi1>, vector<16xf32>, vector<16xi32>)
          %rev3A = arith.constant 15 : i32
          %rev3A_117 = vector.broadcast %rev3A : i32 to vector<16xi32>
          %rev3A_118 = tpu.iota {dimensions = array<i32: 0>} : vector<16xi32>
          %rev3A_119 = arith.subi %rev3A_117, %rev3A_118 : vector<16xi32>
          %rev3A_120 = tpu.dynamic_gather %masked_sort3A_115[%rev3A_119] in [0] : vector<16xf32>, vector<16xi32> -> vector<16xf32>
          %rev3A_121 = arith.constant 15 : i32
          %rev3A_122 = vector.broadcast %rev3A_121 : i32 to vector<16xi32>
          %rev3A_123 = tpu.iota {dimensions = array<i32: 0>} : vector<16xi32>
          %rev3A_124 = arith.subi %rev3A_122, %rev3A_123 : vector<16xi32>
          %rev3A_125 = tpu.dynamic_gather %masked_sort3A_116[%rev3A_124] in [0] : vector<16xi32>, vector<16xi32> -> vector<16xi32>
          %le3A = arith.cmpf ole, %scan3A_82, %rev3A_120 : vector<16xf32>
          %select_n3A = arith.select %le3A, %scan3A_82, %rev3A_120 : vector<16xi1>, vector<16xf32>
          %select_n3A_126 = arith.select %le3A, %scan3A_83, %rev3A_125 : vector<16xi1>, vector<16xi32>
          %masked_sort3A_127 = arith.constant dense<true> : vector<16xi1>
          %masked_sort3A_128, %masked_sort3A_129, %masked_sort3A_130 = tpu.sort %select_n3A, %select_n3A_126 masked %masked_sort3A_127 : (vector<16xf32>, vector<16xi32>, vector<16xi1>) -> (vector<16xi1>, vector<16xf32>, vector<16xi32>)
          %broadcast_in_dim3A_131 = arith.constant 15 : i32
          %broadcast_in_dim3A_132 = vector.broadcast %broadcast_in_dim3A_131 : i32 to vector<16x1xi32>
          %gather3A_133 = vector.shape_cast %broadcast_in_dim3A_132 : vector<16x1xi32> to vector<16xi32>
          %gather3A_134 = tpu.dynamic_gather %masked_sort3A_129[%gather3A_133] in [0] : vector<16xf32>, vector<16xi32> -> vector<16xf32>
          scf.yield %masked_sort3A_129, %masked_sort3A_130, %gather3A_134 : vector<16xf32>, vector<16xi32>, vector<16xf32>
        } else {
          scf.yield %scan3A_82, %scan3A_83, %scan3A_84 : vector<16xf32>, vector<16xi32>, vector<16xf32>
        }
        scf.yield %cond3A_111#0, %cond3A_111#1, %cond3A_111#2 : vector<16xf32>, vector<16xi32>, vector<16xf32>
      }
      %scan3A_75 = arith.constant 512 : i32
      %add3A_76 = arith.constant 48 : i32
      %add3A_77 = arith.addi %add3A_76, %scan3A_57 : i32
      %swap3A = arith.index_cast %add3A_77 : i32 to index
      %swap3A_78 = arith.constant 0 : index
      %swap3A_79 = tpu.vector_load %arg15[%swap3A, %swap3A_78] {strides = array<i32>} : memref<64x16xi32, #tpu.memory_space<vmem>>, vector<16xi32>,
      tpu.vector_store %arg15[%swap3A, %swap3A_78], %scan3A_74#1 {strides = array<i32>} : memref<64x16xi32, #tpu.memory_space<vmem>>, vector<16xi32>,
      %scan3A_80 = arith.constant 0 : i32
      scf.yield %scan3A_80 : i32
    }
    %scan3A_56 = arith.constant 16 : i32
    "tpu.region"() ({
      %run_scoped3A = tpu.sem_alloc : memref<!tpu.dma_semaphore, #tpu.memory_space<semaphore_mem>>
      %dma_start3A = arith.constant 0 : i32
      %dma_start3A_57 = tpu.memref_slice %arg8[%mul3A_2, %dma_start3A] : memref<2048x16xi32, #tpu.memory_space<hbm>> -> memref<64x16xi32, #tpu.memory_space<hbm>>
      %dma_start3A_58 = arith.constant 0 : i32
      %dma_start3A_59 = tpu.memref_slice %arg8[%mul3A_2, %dma_start3A_58] : memref<2048x16xi32, #tpu.memory_space<hbm>> -> memref<64x16xi32, #tpu.memory_space<hbm>>
      tpu.enqueue_dma source(%arg15 : memref<64x16xi32, #tpu.memory_space<vmem>>) target(%dma_start3A_59 : memref<64x16xi32, #tpu.memory_space<hbm>>) target_semaphore(%run_scoped3A : memref<!tpu.dma_semaphore, #tpu.memory_space<semaphore_mem>>)
      %dma_wait3A = arith.constant 0 : i32
      %dma_wait3A_60 = tpu.memref_slice %arg8[%mul3A_2, %dma_wait3A] : memref<2048x16xi32, #tpu.memory_space<hbm>> -> memref<64x16xi32, #tpu.memory_space<hbm>>
      %dma_wait3A_61 = arith.constant 0 : i32
      %dma_wait3A_62 = tpu.memref_slice %arg8[%mul3A_2, %dma_wait3A_61] : memref<2048x16xi32, #tpu.memory_space<hbm>> -> memref<64x16xi32, #tpu.memory_space<hbm>>
      tpu.wait_dma2 semaphore(%run_scoped3A : memref<!tpu.dma_semaphore, #tpu.memory_space<semaphore_mem>>) src(%arg15 : memref<64x16xi32, #tpu.memory_space<vmem>>) dst(%dma_wait3A_62 : memref<64x16xi32, #tpu.memory_space<hbm>>)
      tpu.yield
    }) : () -> ()
    return
  }
}

module attributes {stable_mosaic.version = 14 : i64} {
  func.func @_fps_body(%arg0: memref<64x128xf32, #tpu.memory_space<vmem>>, %arg1: memref<64x128xf32, #tpu.memory_space<vmem>>, %arg2: memref<64x128xf32, #tpu.memory_space<vmem>>, %arg3: memref<16x128xf32, #tpu.memory_space<vmem>>, %arg4: memref<16x128xf32, #tpu.memory_space<vmem>>, %arg5: memref<16x128xf32, #tpu.memory_space<vmem>>) attributes {dimension_semantics = [], scalar_prefetch = 0 : i64, scratch_operands = 0 : i64, tpu.core_type = #tpu.core_type<tc>} {
    %get3A = arith.constant 0 : index
    %get3A_0 = arith.constant 0 : index
    %get3A_1 = vector.load %arg0[%get3A, %get3A_0] : memref<64x128xf32, #tpu.memory_space<vmem>>, vector<64x128xf32>
    %get3A_2 = arith.constant 0 : index
    %get3A_3 = arith.constant 0 : index
    %get3A_4 = vector.load %arg1[%get3A_2, %get3A_3] : memref<64x128xf32, #tpu.memory_space<vmem>>, vector<64x128xf32>
    %get3A_5 = arith.constant 0 : index
    %get3A_6 = arith.constant 0 : index
    %get3A_7 = vector.load %arg2[%get3A_5, %get3A_6] : memref<64x128xf32, #tpu.memory_space<vmem>>, vector<64x128xf32>
    %iota3A = tpu.iota {dimensions = array<i32: 0>} : vector<64x128xi32>
    %mul3A = arith.constant 128 : i32
    %mul3A_8 = vector.broadcast %mul3A : i32 to vector<64x128xi32>
    %mul3A_9 = arith.muli %iota3A, %mul3A_8 : vector<64x128xi32>
    %iota3A_10 = tpu.iota {dimensions = array<i32: 1>} : vector<64x128xi32>
    %add3A = arith.addi %mul3A_9, %iota3A_10 : vector<64x128xi32>
    %iota3A_11 = tpu.iota {dimensions = array<i32: 0>} : vector<16x128xi32>
    %mul3A_12 = arith.constant 128 : i32
    %mul3A_13 = vector.broadcast %mul3A_12 : i32 to vector<16x128xi32>
    %mul3A_14 = arith.muli %iota3A_11, %mul3A_13 : vector<16x128xi32>
    %iota3A_15 = tpu.iota {dimensions = array<i32: 1>} : vector<16x128xi32>
    %add3A_16 = arith.addi %mul3A_14, %iota3A_15 : vector<16x128xi32>
    %eq3A = arith.constant 0 : i32
    %eq3A_17 = vector.broadcast %eq3A : i32 to vector<64x128xi32>
    %eq3A_18 = arith.cmpi eq, %add3A, %eq3A_17 : vector<64x128xi32>
    %jit3A = arith.constant 0.000000e+00 : f32
    %broadcast_in_dim3A = vector.broadcast %jit3A : f32 to vector<64x128xf32>
    %select_n3A = arith.select %eq3A_18, %get3A_1, %broadcast_in_dim3A : vector<64x128xi1>, vector<64x128xf32>
    %reduce_sum3A = vector.shape_cast %select_n3A : vector<64x128xf32> to vector<1x64x128xf32>
    %reduce_sum3A_19 = arith.constant dense<0.000000e+00> : vector<1xf32>
    %reduce_sum3A_20 = vector.multi_reduction <add>, %reduce_sum3A, %reduce_sum3A_19 [1, 2] : vector<1x64x128xf32> to vector<1xf32>
    %reduce_sum3A_21 = vector.shape_cast %reduce_sum3A_20 : vector<1xf32> to vector<1x1x1xf32>
    %reduce_sum3A_22 = vector.extract %reduce_sum3A_21[0, 0, 0] : f32 from vector<1x1x1xf32>
    %eq3A_23 = arith.constant 0 : i32
    %eq3A_24 = vector.broadcast %eq3A_23 : i32 to vector<64x128xi32>
    %eq3A_25 = arith.cmpi eq, %add3A, %eq3A_24 : vector<64x128xi32>
    %jit3A_26 = arith.constant 0.000000e+00 : f32
    %broadcast_in_dim3A_27 = vector.broadcast %jit3A_26 : f32 to vector<64x128xf32>
    %select_n3A_28 = arith.select %eq3A_25, %get3A_4, %broadcast_in_dim3A_27 : vector<64x128xi1>, vector<64x128xf32>
    %reduce_sum3A_29 = vector.shape_cast %select_n3A_28 : vector<64x128xf32> to vector<1x64x128xf32>
    %reduce_sum3A_30 = arith.constant dense<0.000000e+00> : vector<1xf32>
    %reduce_sum3A_31 = vector.multi_reduction <add>, %reduce_sum3A_29, %reduce_sum3A_30 [1, 2] : vector<1x64x128xf32> to vector<1xf32>
    %reduce_sum3A_32 = vector.shape_cast %reduce_sum3A_31 : vector<1xf32> to vector<1x1x1xf32>
    %reduce_sum3A_33 = vector.extract %reduce_sum3A_32[0, 0, 0] : f32 from vector<1x1x1xf32>
    %eq3A_34 = arith.constant 0 : i32
    %eq3A_35 = vector.broadcast %eq3A_34 : i32 to vector<64x128xi32>
    %eq3A_36 = arith.cmpi eq, %add3A, %eq3A_35 : vector<64x128xi32>
    %jit3A_37 = arith.constant 0.000000e+00 : f32
    %broadcast_in_dim3A_38 = vector.broadcast %jit3A_37 : f32 to vector<64x128xf32>
    %select_n3A_39 = arith.select %eq3A_36, %get3A_7, %broadcast_in_dim3A_38 : vector<64x128xi1>, vector<64x128xf32>
    %reduce_sum3A_40 = vector.shape_cast %select_n3A_39 : vector<64x128xf32> to vector<1x64x128xf32>
    %reduce_sum3A_41 = arith.constant dense<0.000000e+00> : vector<1xf32>
    %reduce_sum3A_42 = vector.multi_reduction <add>, %reduce_sum3A_40, %reduce_sum3A_41 [1, 2] : vector<1x64x128xf32> to vector<1xf32>
    %reduce_sum3A_43 = vector.shape_cast %reduce_sum3A_42 : vector<1xf32> to vector<1x1x1xf32>
    %reduce_sum3A_44 = vector.extract %reduce_sum3A_43[0, 0, 0] : f32 from vector<1x1x1xf32>
    %eq3A_45 = arith.constant 0 : i32
    %eq3A_46 = vector.broadcast %eq3A_45 : i32 to vector<16x128xi32>
    %eq3A_47 = arith.cmpi eq, %add3A_16, %eq3A_46 : vector<16x128xi32>
    %jit3A_48 = arith.constant 0.000000e+00 : f32
    %broadcast_in_dim3A_49 = vector.broadcast %reduce_sum3A_22 : f32 to vector<16x128xf32>
    %broadcast_in_dim3A_50 = vector.broadcast %jit3A_48 : f32 to vector<16x128xf32>
    %select_n3A_51 = arith.select %eq3A_47, %broadcast_in_dim3A_49, %broadcast_in_dim3A_50 : vector<16x128xi1>, vector<16x128xf32>
    %swap3A = arith.constant 0 : index
    %swap3A_52 = arith.constant 0 : index
    %swap3A_53 = vector.load %arg3[%swap3A, %swap3A_52] : memref<16x128xf32, #tpu.memory_space<vmem>>, vector<16x128xf32>
    tpu.vector_store %arg3[%swap3A, %swap3A_52], %select_n3A_51 {strides = array<i32>} : memref<16x128xf32, #tpu.memory_space<vmem>>, vector<16x128xf32>,
    %eq3A_54 = arith.constant 0 : i32
    %eq3A_55 = vector.broadcast %eq3A_54 : i32 to vector<16x128xi32>
    %eq3A_56 = arith.cmpi eq, %add3A_16, %eq3A_55 : vector<16x128xi32>
    %jit3A_57 = arith.constant 0.000000e+00 : f32
    %broadcast_in_dim3A_58 = vector.broadcast %reduce_sum3A_33 : f32 to vector<16x128xf32>
    %broadcast_in_dim3A_59 = vector.broadcast %jit3A_57 : f32 to vector<16x128xf32>
    %select_n3A_60 = arith.select %eq3A_56, %broadcast_in_dim3A_58, %broadcast_in_dim3A_59 : vector<16x128xi1>, vector<16x128xf32>
    %swap3A_61 = arith.constant 0 : index
    %swap3A_62 = arith.constant 0 : index
    %swap3A_63 = vector.load %arg4[%swap3A_61, %swap3A_62] : memref<16x128xf32, #tpu.memory_space<vmem>>, vector<16x128xf32>
    tpu.vector_store %arg4[%swap3A_61, %swap3A_62], %select_n3A_60 {strides = array<i32>} : memref<16x128xf32, #tpu.memory_space<vmem>>, vector<16x128xf32>,
    %eq3A_64 = arith.constant 0 : i32
    %eq3A_65 = vector.broadcast %eq3A_64 : i32 to vector<16x128xi32>
    %eq3A_66 = arith.cmpi eq, %add3A_16, %eq3A_65 : vector<16x128xi32>
    %jit3A_67 = arith.constant 0.000000e+00 : f32
    %broadcast_in_dim3A_68 = vector.broadcast %reduce_sum3A_44 : f32 to vector<16x128xf32>
    %broadcast_in_dim3A_69 = vector.broadcast %jit3A_67 : f32 to vector<16x128xf32>
    %select_n3A_70 = arith.select %eq3A_66, %broadcast_in_dim3A_68, %broadcast_in_dim3A_69 : vector<16x128xi1>, vector<16x128xf32>
    %swap3A_71 = arith.constant 0 : index
    %swap3A_72 = arith.constant 0 : index
    %swap3A_73 = vector.load %arg5[%swap3A_71, %swap3A_72] : memref<16x128xf32, #tpu.memory_space<vmem>>, vector<16x128xf32>
    tpu.vector_store %arg5[%swap3A_71, %swap3A_72], %select_n3A_70 {strides = array<i32>} : memref<16x128xf32, #tpu.memory_space<vmem>>, vector<16x128xf32>,
    %broadcast_in_dim3A_74 = arith.constant 0x7F800000 : f32
    %broadcast_in_dim3A_75 = vector.broadcast %broadcast_in_dim3A_74 : f32 to vector<64x128xf32>
    %scan3A = arith.constant 1 : i32
    %scan3A_76 = arith.constant 2047 : i32
    %scan3A_77 = arith.addi %scan3A, %scan3A_76 : i32
    %scan3A_78 = arith.constant 1 : i32
    %scan3A_79:4 = scf.for %scan3A_81 = %scan3A to %scan3A_77 step %scan3A_78 iter_args(%scan3A_82 = %broadcast_in_dim3A_75, %scan3A_83 = %reduce_sum3A_22, %scan3A_84 = %reduce_sum3A_33, %scan3A_85 = %reduce_sum3A_44) -> (vector<64x128xf32>, f32, f32, f32)  : i32 {
      %sub3A = vector.broadcast %scan3A_83 : f32 to vector<64x128xf32>
      %sub3A_86 = arith.subf %get3A_1, %sub3A : vector<64x128xf32>
      %sub3A_87 = vector.broadcast %scan3A_84 : f32 to vector<64x128xf32>
      %sub3A_88 = arith.subf %get3A_4, %sub3A_87 : vector<64x128xf32>
      %sub3A_89 = vector.broadcast %scan3A_85 : f32 to vector<64x128xf32>
      %sub3A_90 = arith.subf %get3A_7, %sub3A_89 : vector<64x128xf32>
      %mul3A_91 = arith.mulf %sub3A_86, %sub3A_86 : vector<64x128xf32>
      %mul3A_92 = arith.mulf %sub3A_90, %sub3A_90 : vector<64x128xf32>
      %add3A_93 = arith.addf %mul3A_91, %mul3A_92 : vector<64x128xf32>
      %mul3A_94 = arith.mulf %sub3A_88, %sub3A_88 : vector<64x128xf32>
      %add3A_95 = arith.addf %add3A_93, %mul3A_94 : vector<64x128xf32>
      %min3A = arith.minimumf %scan3A_82, %add3A_95 : vector<64x128xf32>
      %reduce_max3A = vector.shape_cast %min3A : vector<64x128xf32> to vector<1x64x128xf32>
      %reduce_max3A_96 = arith.constant dense<0xFF800000> : vector<1xf32>
      %reduce_max3A_97 = vector.multi_reduction <maximumf>, %reduce_max3A, %reduce_max3A_96 [1, 2] : vector<1x64x128xf32> to vector<1xf32>
      %reduce_max3A_98 = vector.shape_cast %reduce_max3A_97 : vector<1xf32> to vector<1x1x1xf32>
      %reduce_max3A_99 = vector.extract %reduce_max3A_98[0, 0, 0] : f32 from vector<1x1x1xf32>
      %eq3A_100 = vector.broadcast %reduce_max3A_99 : f32 to vector<64x128xf32>
      %eq3A_101 = arith.cmpf oeq, %min3A, %eq3A_100 : vector<64x128xf32>
      %jit3A_102 = arith.constant 8192 : i32
      %broadcast_in_dim3A_103 = vector.broadcast %jit3A_102 : i32 to vector<64x128xi32>
      %select_n3A_104 = arith.select %eq3A_101, %add3A, %broadcast_in_dim3A_103 : vector<64x128xi1>, vector<64x128xi32>
      %reduce_min3A = vector.shape_cast %select_n3A_104 : vector<64x128xi32> to vector<1x64x128xi32>
      %reduce_min3A_105 = arith.constant dense<2147483647> : vector<1xi32>
      %reduce_min3A_106 = vector.multi_reduction <minsi>, %reduce_min3A, %reduce_min3A_105 [1, 2] : vector<1x64x128xi32> to vector<1xi32>
      %reduce_min3A_107 = vector.shape_cast %reduce_min3A_106 : vector<1xi32> to vector<1x1x1xi32>
      %reduce_min3A_108 = vector.extract %reduce_min3A_107[0, 0, 0] : i32 from vector<1x1x1xi32>
      %eq3A_109 = vector.broadcast %reduce_min3A_108 : i32 to vector<64x128xi32>
      %eq3A_110 = arith.cmpi eq, %add3A, %eq3A_109 : vector<64x128xi32>
      %jit3A_111 = arith.constant 0.000000e+00 : f32
      %broadcast_in_dim3A_112 = vector.broadcast %jit3A_111 : f32 to vector<64x128xf32>
      %select_n3A_113 = arith.select %eq3A_110, %get3A_1, %broadcast_in_dim3A_112 : vector<64x128xi1>, vector<64x128xf32>
      %reduce_sum3A_114 = vector.shape_cast %select_n3A_113 : vector<64x128xf32> to vector<1x64x128xf32>
      %reduce_sum3A_115 = arith.constant dense<0.000000e+00> : vector<1xf32>
      %reduce_sum3A_116 = vector.multi_reduction <add>, %reduce_sum3A_114, %reduce_sum3A_115 [1, 2] : vector<1x64x128xf32> to vector<1xf32>
      %reduce_sum3A_117 = vector.shape_cast %reduce_sum3A_116 : vector<1xf32> to vector<1x1x1xf32>
      %reduce_sum3A_118 = vector.extract %reduce_sum3A_117[0, 0, 0] : f32 from vector<1x1x1xf32>
      %jit3A_119 = arith.constant 0.000000e+00 : f32
      %broadcast_in_dim3A_120 = vector.broadcast %jit3A_119 : f32 to vector<64x128xf32>
      %select_n3A_121 = arith.select %eq3A_110, %get3A_4, %broadcast_in_dim3A_120 : vector<64x128xi1>, vector<64x128xf32>
      %reduce_sum3A_122 = vector.shape_cast %select_n3A_121 : vector<64x128xf32> to vector<1x64x128xf32>
      %reduce_sum3A_123 = arith.constant dense<0.000000e+00> : vector<1xf32>
      %reduce_sum3A_124 = vector.multi_reduction <add>, %reduce_sum3A_122, %reduce_sum3A_123 [1, 2] : vector<1x64x128xf32> to vector<1xf32>
      %reduce_sum3A_125 = vector.shape_cast %reduce_sum3A_124 : vector<1xf32> to vector<1x1x1xf32>
      %reduce_sum3A_126 = vector.extract %reduce_sum3A_125[0, 0, 0] : f32 from vector<1x1x1xf32>
      %jit3A_127 = arith.constant 0.000000e+00 : f32
      %broadcast_in_dim3A_128 = vector.broadcast %jit3A_127 : f32 to vector<64x128xf32>
      %select_n3A_129 = arith.select %eq3A_110, %get3A_7, %broadcast_in_dim3A_128 : vector<64x128xi1>, vector<64x128xf32>
      %reduce_sum3A_130 = vector.shape_cast %select_n3A_129 : vector<64x128xf32> to vector<1x64x128xf32>
      %reduce_sum3A_131 = arith.constant dense<0.000000e+00> : vector<1xf32>
      %reduce_sum3A_132 = vector.multi_reduction <add>, %reduce_sum3A_130, %reduce_sum3A_131 [1, 2] : vector<1x64x128xf32> to vector<1xf32>
      %reduce_sum3A_133 = vector.shape_cast %reduce_sum3A_132 : vector<1xf32> to vector<1x1x1xf32>
      %reduce_sum3A_134 = vector.extract %reduce_sum3A_133[0, 0, 0] : f32 from vector<1x1x1xf32>
      %eq3A_135 = vector.broadcast %scan3A_81 : i32 to vector<16x128xi32>
      %eq3A_136 = arith.cmpi eq, %add3A_16, %eq3A_135 : vector<16x128xi32>
      %get3A_137 = arith.constant 0 : index
      %get3A_138 = arith.constant 0 : index
      %get3A_139 = vector.load %arg3[%get3A_137, %get3A_138] : memref<16x128xf32, #tpu.memory_space<vmem>>, vector<16x128xf32>
      %broadcast_in_dim3A_140 = vector.broadcast %reduce_sum3A_118 : f32 to vector<16x128xf32>
      %select_n3A_141 = arith.select %eq3A_136, %broadcast_in_dim3A_140, %get3A_139 : vector<16x128xi1>, vector<16x128xf32>
      %swap3A_142 = arith.constant 0 : index
      %swap3A_143 = arith.constant 0 : index
      %swap3A_144 = vector.load %arg3[%swap3A_142, %swap3A_143] : memref<16x128xf32, #tpu.memory_space<vmem>>, vector<16x128xf32>
      tpu.vector_store %arg3[%swap3A_142, %swap3A_143], %select_n3A_141 {strides = array<i32>} : memref<16x128xf32, #tpu.memory_space<vmem>>, vector<16x128xf32>,
      %get3A_145 = arith.constant 0 : index
      %get3A_146 = arith.constant 0 : index
      %get3A_147 = vector.load %arg4[%get3A_145, %get3A_146] : memref<16x128xf32, #tpu.memory_space<vmem>>, vector<16x128xf32>
      %broadcast_in_dim3A_148 = vector.broadcast %reduce_sum3A_126 : f32 to vector<16x128xf32>
      %select_n3A_149 = arith.select %eq3A_136, %broadcast_in_dim3A_148, %get3A_147 : vector<16x128xi1>, vector<16x128xf32>
      %swap3A_150 = arith.constant 0 : index
      %swap3A_151 = arith.constant 0 : index
      %swap3A_152 = vector.load %arg4[%swap3A_150, %swap3A_151] : memref<16x128xf32, #tpu.memory_space<vmem>>, vector<16x128xf32>
      tpu.vector_store %arg4[%swap3A_150, %swap3A_151], %select_n3A_149 {strides = array<i32>} : memref<16x128xf32, #tpu.memory_space<vmem>>, vector<16x128xf32>,
      %get3A_153 = arith.constant 0 : index
      %get3A_154 = arith.constant 0 : index
      %get3A_155 = vector.load %arg5[%get3A_153, %get3A_154] : memref<16x128xf32, #tpu.memory_space<vmem>>, vector<16x128xf32>
      %broadcast_in_dim3A_156 = vector.broadcast %reduce_sum3A_134 : f32 to vector<16x128xf32>
      %select_n3A_157 = arith.select %eq3A_136, %broadcast_in_dim3A_156, %get3A_155 : vector<16x128xi1>, vector<16x128xf32>
      %swap3A_158 = arith.constant 0 : index
      %swap3A_159 = arith.constant 0 : index
      %swap3A_160 = vector.load %arg5[%swap3A_158, %swap3A_159] : memref<16x128xf32, #tpu.memory_space<vmem>>, vector<16x128xf32>
      tpu.vector_store %arg5[%swap3A_158, %swap3A_159], %select_n3A_157 {strides = array<i32>} : memref<16x128xf32, #tpu.memory_space<vmem>>, vector<16x128xf32>,
      scf.yield %min3A, %reduce_sum3A_118, %reduce_sum3A_126, %reduce_sum3A_134 : vector<64x128xf32>, f32, f32, f32
    }
    %scan3A_80 = arith.constant 2047 : i32
    return
  }
}

module attributes {stable_mosaic.version = 14 : i64} {
  func.func @_mlp_body(%arg0: i32, %arg1: memref<1024x256xf32, #tpu.memory_space<vmem>>, %arg2: memref<512x256xf32, #tpu.memory_space<vmem>>, %arg3: memref<1x512xf32, #tpu.memory_space<vmem>>, %arg4: memref<1024x512xf32, #tpu.memory_space<vmem>>) attributes {dimension_semantics = [#tpu.dimension_semantics<arbitrary>], iteration_bounds = array<i64: 8>, scalar_prefetch = 0 : i64, scratch_operands = 0 : i64, tpu.core_type = #tpu.core_type<tc>, window_params = [{transform_indices = @transform_0, window_bounds = array<i64: 1024, 256>}, {pipeline_mode = #tpu.pipeline_mode<synchronous>, transform_indices = @transform_1, window_bounds = array<i64: 512, 256>}, {pipeline_mode = #tpu.pipeline_mode<synchronous>, transform_indices = @transform_2, window_bounds = array<i64: 1, 512>}, {transform_indices = @transform_3, window_bounds = array<i64: 1024, 512>}]} {
    %get3A = arith.constant 0 : index
    %get3A_0 = arith.constant 0 : index
    %get3A_1 = vector.load %arg1[%get3A, %get3A_0] : memref<1024x256xf32, #tpu.memory_space<vmem>>, vector<1024x256xf32>
    %get3A_2 = arith.constant 0 : index
    %get3A_3 = arith.constant 0 : index
    %get3A_4 = vector.load %arg2[%get3A_2, %get3A_3] : memref<512x256xf32, #tpu.memory_space<vmem>>, vector<512x256xf32>
    %dot_general3A = arith.constant dense<0.000000e+00> : vector<1024x512xf32>
    %dot_general3A_5 = tpu.matmul %get3A_1, %get3A_4, %dot_general3A {dimension_numbers = #tpu.dot_dimension_numbers<[1], [1], [0], [0], [0, 0, 1, 0], [], []>, transpose_lhs_hint = false} : vector<1024x256xf32>, vector<512x256xf32>, vector<1024x512xf32> -> vector<1024x512xf32>
    %get3A_6 = arith.constant 0 : index
    %get3A_7 = arith.constant 0 : index
    %get3A_8 = vector.load %arg3[%get3A_6, %get3A_7] : memref<1x512xf32, #tpu.memory_space<vmem>>, vector<1x512xf32>
    %add3A = vector.broadcast %get3A_8 : vector<1x512xf32> to vector<1024x512xf32>
    %add3A_9 = arith.addf %dot_general3A_5, %add3A : vector<1024x512xf32>
    %swap3A = arith.constant 0 : index
    %swap3A_10 = arith.constant 0 : index
    %swap3A_11 = vector.load %arg4[%swap3A, %swap3A_10] : memref<1024x512xf32, #tpu.memory_space<vmem>>, vector<1024x512xf32>
    tpu.vector_store %arg4[%swap3A, %swap3A_10], %add3A_9 {strides = array<i32>} : memref<1024x512xf32, #tpu.memory_space<vmem>>, vector<1024x512xf32>,
    return
  }
  func.func @transform_0(%arg0: i32) -> (i32, i32) {
    %c0_i32 = arith.constant 0 : i32
    %c0_i32_0 = arith.constant 0 : i32
    return %arg0, %c0_i32 : i32, i32
  }
  func.func @transform_1(%arg0: i32) -> (i32, i32) {
    %c0_i32 = arith.constant 0 : i32
    %c0_i32_0 = arith.constant 0 : i32
    %c0_i32_1 = arith.constant 0 : i32
    return %c0_i32, %c0_i32_0 : i32, i32
  }
  func.func @transform_2(%arg0: i32) -> (i32, i32) {
    %c0_i32 = arith.constant 0 : i32
    %c0_i32_0 = arith.constant 0 : i32
    %c0_i32_1 = arith.constant 0 : i32
    return %c0_i32, %c0_i32_0 : i32, i32
  }
  func.func @transform_3(%arg0: i32) -> (i32, i32) {
    %c0_i32 = arith.constant 0 : i32
    %c0_i32_0 = arith.constant 0 : i32
    return %arg0, %c0_i32 : i32, i32
  }
}

</mosaic_0001>

<sc_bundles>
// kernel: kernel.6.cloned.1.call-start
scs
__scs_entry_jumppad:
0x0: {  	(pc) =	sbr.rel $0x88, $3  }
0x1: {  	(tag) =	ssettag $0x0;
	lr =	simm.s32 $0x1  }
0x2: {  	[smem:$0x3F9D] =	sst lr;
	_ =	strace $0xD0000000  }
0x3: {  	_ = 	snop  }
0x4: {  	_ = 	snop  }
0x5: {  	_ = 	snop  }
0x6: {  	_ = 	snop  }
0x7: {  	_ = 	snop  }
__scs_overlays_trampoline_lowered:
0x8: {  	[smem:$0x3FAC] =	sst s0  }
0x9: {  	[smem:$0x3FAD] =	sst s1  }
0xa: {  	[smem:$0x3FAE] =	sst s2  }
0xb: {  	[smem:$0x3FAF] =	sst s3  }
0xc: {  	[smem:$0x3FB0] =	sst s4  }
0xd: {  	[smem:$0x3FB1] =	sst s5  }
0xe: {  	[smem:$0x3FB2] =	sst s6  }
0xf: {  	[smem:$0x3FB3] =	sst s7  }
0x10: {  	[smem:$0x3FB4] =	sst s8  }
0x11: {  	[smem:$0x3FB5] =	sst s9;
	s0 =	simm.s32 @!p0 $0x0  }
0x12: {  	s1 =	sld [smem:$0x3F9B];
	s0 =	simm.s32 @p0 $0x1  }
0x13: {  	[smem:$0x3FB6] =	sst s0;
	s0 =	simm.s32 @!p1 $0x0  }
0x14: {  	s2 =	sld [smem:$0x3F9A];
	s0 =	simm.s32 @p1 $0x1  }
0x15: {  	[smem:$0x3FB7] =	sst s0;
	s0 =	simm.s32 @!p2 $0x0  }
0x16: {  	s3 =	sld [smem:$0x3FDB];
	s0 =	simm.s32 @p2 $0x1  }
0x17: {  	s4 =	simm.s32 $0x1BF5;
	[smem:$0x3FB9] =	sst s0  }
0x18: {  	s0 =	sld [smem:$0x3F9C];
	_ =	swait.ge [sflag:s4], $0x0  }
0x19: {  	s7 =	sld [smem:$0x3F9D]  }
0x1a: {  	s8 =	sadd.s32 $0xFFFFE003, lr  }
0x1b: {  	s9 =	sadd.s32 $0xFFFFFEF7, lr;
	s5 =	simm.s32 $0xFFFFFFFF;
	p2 =	slt.u32 s8, $0xFFFFF086  }
0x1c: {  	p1 =	slt.u32 s9, $0xF7A;
	s5 =	simm.s32 @!p2 $0x0  }
0x1d: {  	s5 =	simm.s32 @p1 $0x1;
	p0 =	seq.s32 s7, s2  }
0x1e: {  	s7 =	smul.u32 @!p0 $0xF7A, s2;
	p2 =	seq.s32 @!p0 s5, $0x0  }
0x1f: {  	s9 =	smul.u32 $0xF7A, s1;
	s8 =	simm.s32 @!p0 $0x1BF5;
	p2 =	por !p2, p0  }
0x20: {  	[sflag:s8] =	ssyncset.s32 @!p0 $0xFFFFF086;
	s6 =	sadd.s32 @!p0 s3, s7;
	s7 =	simm.s32 @!p0 $0x108  }
0x21: {  	s3 =	sadd.s32 s3, s9;
	s6 =	sadd.s32 @!p0 $0x88, s6;
	s7 =	simm.s32 @p2 $0x1082  }
0x22: {  	[simem:s7], [sflag:s8] =	dma.local @!p0 [hbm:s6], $0xF7A  }
0x23: {  	s9 =	sor.u32 $0xD0000000, s2;
	s6 =	simm.s32 $0x108;
	_ =	swait.ge @!p0 [sflag:s8], $0x0  }
0x24: {  	s3 =	sadd.s32 $0x88, s3;
	s6 =	simm.s32 @!p1 $0x1082;
	[sflag:s4] =	ssyncset.s32 $0xFFFFF086  }
0x25: {  	[simem:s6], [sflag:s4] =	dma.local [hbm:s3], $0xF7A  }
0x26: {  	[smem:$0x3F9D] =	sst s1;
	(tag) =	ssettag s2;
	_ =	strace s9  }
0x27: {  	s1 =	sld [smem:$0x3FAD]  }
0x28: {  	s2 =	sld [smem:$0x3FAE]  }
0x29: {  	s4 =	sld [smem:$0x3FB0]  }
0x2a: {  	p0 =	seq.s32 s5, $0x0;
	s5 =	sld [smem:$0x3FB1]  }
0x2b: {  	s6 =	sld [smem:$0x3FB2]  }
0x2c: {  	s7 =	sld [smem:$0x3FB3]  }
0x2d: {  	s3 =	simm.s32 $0x108;
	s8 =	sld [smem:$0x3FB4]  }
0x2e: {  	s3 =	simm.s32 @!p0 $0x1082;
	s9 =	sld [smem:$0x3FB5]  }
0x2f: {  	lr =	sadd.s32 s0, s3;
	s0 =	sld [smem:$0x3FAC]  }
0x30: {  	s3 =	sld [smem:$0x3FAF]  }
0x31: {  	[smem:$0x3FB8] =	sst s10  }
0x32: {  	s10 =	sld [smem:$0x3FB6];
	_ =	sdelay $0x3  }
0x33: {  	p0 =	seq.s32 s10, $0x1;
	s10 =	sld [smem:$0x3FB8];
	_ =	sdelay $0x3  }
0x34: {  	[smem:$0x3FB8] =	sst s10  }
0x35: {  	s10 =	sld [smem:$0x3FB7];
	_ =	sdelay $0x3  }
0x36: {  	p1 =	seq.s32 s10, $0x1;
	s10 =	sld [smem:$0x3FB8];
	_ =	sdelay $0x3  }
0x37: {  	[smem:$0x3FB8] =	sst s10  }
0x38: {  	s10 =	sld [smem:$0x3FB9]  }
0x39: {  	_ = 	snop;
	(pc) =	sbr.ind lr, $3  }
0x3a: {  	_ = 	snop  }
0x3b: {  	_ = 	snop  }
0x3c: {  	p2 =	seq.s32 s10, $0x1;
	s10 =	sld [smem:$0x3FB8]  }
0x3d: {  	_ =	shalt  }
0x3e: {  	_ =	shalt  }
0x3f: {  	_ =	shalt  }
0x40: {  	_ =	shalt  }
0x41: {  	_ =	shalt  }
0x42: {  	_ =	shalt  }
0x43: {  	_ =	shalt  }
0x44: {  	_ =	shalt  }
0x45: {  	_ =	shalt  }
0x46: {  	_ =	shalt  }
0x47: {  	_ =	shalt  }
0x48: {  	_ =	shalt  }
0x49: {  	_ =	shalt  }
0x4a: {  	_ =	shalt  }
0x4b: {  	_ =	shalt  }
0x4c: {  	_ =	shalt  }
0x4d: {  	_ =	shalt  }
0x4e: {  	_ =	shalt  }
0x4f: {  	_ =	shalt  }
0x50: {  	_ =	shalt  }
0x51: {  	_ =	shalt  }
0x52: {  	_ =	shalt  }
0x53: {  	_ =	shalt  }
0x54: {  	_ =	shalt  }
0x55: {  	_ =	shalt  }
0x56: {  	_ =	shalt  }
0x57: {  	_ =	shalt  }
0x58: {  	_ =	shalt  }
0x59: {  	_ =	shalt  }
0x5a: {  	_ =	shalt  }
0x5b: {  	_ =	shalt  }
0x5c: {  	_ =	shalt  }
0x5d: {  	_ =	shalt  }
0x5e: {  	_ =	shalt  }
0x5f: {  	_ =	shalt  }
0x60: {  	_ =	shalt  }
0x61: {  	_ =	shalt  }
0x62: {  	_ =	shalt  }
0x63: {  	_ =	shalt  }
0x64: {  	_ =	shalt  }
0x65: {  	_ =	shalt  }
0x66: {  	_ =	shalt  }
0x67: {  	_ =	shalt  }
0x68: {  	_ =	shalt  }
0x69: {  	_ =	shalt  }
0x6a: {  	_ =	shalt  }
0x6b: {  	_ =	shalt  }
0x6c: {  	_ =	shalt  }
0x6d: {  	_ =	shalt  }
0x6e: {  	_ =	shalt  }
0x6f: {  	_ =	shalt  }
0x70: {  	_ =	shalt  }
0x71: {  	_ =	shalt  }
0x72: {  	_ =	shalt  }
0x73: {  	_ =	shalt  }
0x74: {  	_ =	shalt  }
0x75: {  	_ =	shalt  }
0x76: {  	_ =	shalt  }
0x77: {  	_ =	shalt  }
0x78: {  	_ =	shalt  }
0x79: {  	_ =	shalt  }
0x7a: {  	_ =	shalt  }
0x7b: {  	_ =	shalt  }
0x7c: {  	_ =	shalt  }
0x7d: {  	_ =	shalt  }
0x7e: {  	_ =	shalt  }
0x7f: {  	_ =	shalt  }
0x80: {  	_ =	shalt  }
0x81: {  	_ =	shalt  }
0x82: {  	_ =	shalt  }
0x83: {  	_ =	shalt  }
0x84: {  	_ =	shalt  }
0x85: {  	_ =	shalt  }
0x86: {  	_ =	shalt  }
0x87: {  	_ =	shalt  }
.Lfunc_end0:
.L_simem_size_0:
called_computation_lowered:
.L_overlay_start_0:
0x88: {  	s2 =	sld [smem:$0x3FD9]  }
0x89: {  	s3 =	sld [smem:$0x3FFE];
	_ =	sdelay $0x1  }
0x8a: {  	s1 =	srdreg.scid  }
0x8b: {  	s0 =	sand.u32 $0x1, s1  }
0x8c: {  	s14 =	sshll.u32 s0, $0xA;
	s2 =	sadd.s32 s3, s2  }
0x8d: {  	s2 =	sadd.s32 s2, s14  }
0x8e: {  	[smem:$0x3FC4] =	sst s2  }
0x8f: {  	_ = 	snop  }
0x90: {  	s2 =	sld [smem:$0x3FD0];
	_ =	sdelay $0x2  }
0x91: {  	s15 =	simm.s32 $0xA;
	s4 =	simm.s32 $0x10  }
0x92: {  	[smem:s4], [sflag:s15] =	dma.local [hbm:s2], $0x1  }
0x93: {  	_ =	swait.eq [sflag:s15], $0x1  }
0x94: {  	s16 =	sld [smem:$0x10];
	[sflag:s15] =	ssyncset.done $0x0  }
0x95: {  	s17 =	sld [smem:$0x11];
	[sflag:s15] =	ssyncadd.s32 $0xFFFFFFFF  }
0x96: {  	s18 =	sld [smem:$0x12];
	(tm) =	ssettm $0x1  }
0x97: {  	s5 =	sld [smem:$0x3FFB];
	_ =	sdelay $0x3  }
0x98: {  	_ =	strace s5  }
0x99: {  	s5 =	sld [smem:$0x3FFC];
	_ =	sdelay $0x3  }
0x9a: {  	_ =	strace s5  }
0x9b: {  	s5 =	sld [smem:$0x3FFD];
	_ =	sdelay $0x3  }
0x9c: {  	_ =	strace s5  }
0x9d: {  	_ =	strace $0x8FFFFFFF  }
0x9e: {  	s19 =	sld [smem:$0x3FDB];
	_ =	sdelay $0x1  }
0x9f: {  	s6 =	simm.s32 $_scs_section_size  }
0xa0: {  	s7 =	simm.s32 $_size__tile_overlayer_lowered;
	s8 =	simm.s32 $_tile_overlayer_lowered  }
0xa1: {  	s22 =	simm.s32 $0x1BFF;
	s21 =	sshll.u32 s8, $0x1;
	s5 =	sadd.s32 s6, s19  }
0xa2: {  	s9 =	simm.s32 $0x0;
	s20 =	sshll.u32 s7, $0x1;
	s7 =	sadd.s32 s21, s5  }
0xa3: {  	[timem:s9], [sflag:s22] =	dma.local [hbm:s7], s20  }
0xa4: {  	_ =	swait.ge [sflag:s22], s20  }
0xa5: {  	s6 =	ssub.s32 $0x0, s20;
	[sflag:s22] =	ssyncset.done $0x0  }
0xa6: {  	[sflag:s22] =	ssyncadd.s32 s6;
	_ =	sdelay $0x1  }
0xa7: {  	s23 =	simm.s32 $0x1B8B  }
0xa8: {  	_ =	swait.ge [sflag:s23], $0x1  }
0xa9: {  	[sflag:s23] =	ssyncset.done $0x0  }
0xaa: {  	s25 =	simm.s32 $0x1B8E;
	s24 =	sld [smem:$0x3FFE];
	[sflag:s23] =	ssyncadd.s32 $0xFFFFFFFF  }
0xab: {  	s26 =	simm.s32 $execute0_lowered;
	[smem:$0x3FD2] =	sst s25  }
0xac: {  	s7 =	sshll.u32 s26, $0x1;
	_ =	strace $0x80000046;
	[dreg:$0x1] =	wrdreg $0xFFFFFFFF  }
0xad: {  	s28 =	simm.s32 $_size_execute0_lowered;
	s5 =	sadd.s32 s5, s7;
	[dreg:$0x0] =	wrdreg $0x0  }
0xae: {  	s7 =	sshll.u32 s28, $0x1;
	[dreg:$0x2] =	wrdreg s5  }
0xaf: {  	[dreg:$0x3] =	wrdreg s7  }
0xb0: {  	[dreg:$0x4] =	wrdreg $0xC0  }
0xb1: {  	_ =	task [dreg:s9], $0x5FFFF  }
0xb2: {  	[dreg:$0x1] =	wrdreg $0xFFFFFFFF  }
0xb3: {  	[dreg:$0x0] =	wrdreg $0x60  }
0xb4: {  	[dreg:$0x2] =	wrdreg s17  }
0xb5: {  	[dreg:$0x3] =	wrdreg s16  }
0xb6: {  	[dreg:$0x4] =	wrdreg s24  }
0xb7: {  	[dreg:$0x5] =	wrdreg s18  }
0xb8: {  	[dreg:$0x6] =	wrdreg $0x9  }
0xb9: {  	_ =	task.clear_ibuf [dreg:s9], $0x7FFFF;
	_ =	strace $0x90000046  }
0xba: {  	s29 =	simm.s32 $0x9;
	_ =	strace $0x80000048  }
0xbb: {  	_ =	swait.ge [sflag:s29], $0x1  }
0xbc: {  	[sflag:s29] =	ssyncadd.s32 $0xFFFFFFFF  }
0xbd: {  	_ =	strace $0x90000048  }
0xbe: {  	_ =	sfence  }
0xbf: {  	s30 =	sld [smem:$0x0];
	_ =	sdelay $0x2  }
0xc0: {  	s31 =	sshll.u32 s1, $0xD;
	s1 =	sshrl.u32 s1, $0x2  }
0xc1: {  	s3 =	sand.u32 $0x4000, s31;
	s1 =	sadd.s32 s1, s30  }
0xc2: {  	s0 =	sor.u32 s3, s0;
	s1 =	sshll.u32 s1, $0x11  }
0xc3: {  	s0 =	sor.u32 s1, s0  }
0xc4: {  	s0 =	sadd.s32 $0x8F2B, s0  }
0xc5: {  	[sflag:s0] =	ssyncadd.remote.s32 $0x1  }
0xc6: {  	_ =	sfence.sel $0xFFFF  }
0xc7: {  	[dreg:$0x0] =	wrdreg $0xFFFFFFFF;
	(pc) =	sbr.abs _section_cstart, $3  }
0xc8: {  	[dreg:$0x1] =	wrdreg $0xFFFFFFFF  }
0xc9: {  	_ =	task.clear_ibuf [dreg:s9], $0x2FFFF;
	_ =	strace $0x9FFFFFFF  }
0xca: {  	(tm) =	ssettm $0x7FFFFFFF  }
0xcb: {  	_ =	shalt  }
tec
execute0_lowered:
.L_overlay_start_1:
0x0: {  	(tag) =	ssettag $0x1  }
0x1: {  	s1 =	rddreg [dreg:$0x0]  }
0x2: {  	s2 =	rddreg [dreg:$0x1]  }
0x3: {  	s6 =	rddreg [dreg:$0x2]  }
0x4: {  	s7 =	rddreg [dreg:$0x3]  }
0x5: {  	s0 =	rddreg [dreg:$0x4]  }
0x6: {  	s5 =	srdreg.scid;
	s4 =	simm.s32 $0x0;
	s3 =	stileid.u32  }
0x7: {  	s13 =	simm.s32 $0x4000;
	s14 =	simm.s32 $0x6000;
	s15 =	simm.s32 $0x6080  }
0x8: {  	s16 =	simm.s32 $0x6100;
	s17 =	simm.s32 $0x6180;
	s18 =	simm.s32 $0x0  }
0x9: {  	s8 =	sand.u32 $0x1, s5;
	[smem:$0x7FF] =	sst s4;
	s31 =	sshll.u32 s3, $0x7  }
0xa: {  	s5 =	sadd.s32 $0x2400, s6;
	s9 =	sshll.u32 s8, $0x6;
	s8 =	ssub.s32 $0x2, s8  }
0xb: {  	_ =	strace $0x80000047;
	s9 =	sor.u32 s9, s31;
	s12 =	sshrl.u32 s8, $0x1  }
0xc: {  	s10 =	sshrl.u32 s9, $0x3;
	s9 =	sshll.u32 s9, $0x4;
	s12 =	ssub.s32 s8, s12  }
0xd: {  	s11 =	sadd.s32 s10, s6;
	s9 =	sadd.s32 s9, s6;
	s6 =	sadd.s32 s7, s10  }
0xe: {  	s10 =	smax.u32 s12, $0x1;
	s12 =	simm.s32 $0x2000;
	s7 =	sadd.s32 $0x2A00, s11  }
0xf: {  	v0 =	vimm.f32 $0.0e+00;
	s8 =	sadd.s32 $0x2800, s11;
	s9 =	sadd.s32 $0x2C00, s9;
	s11 =	simm.s32 $0x1  }
.LBB2_1:
0x10: {  	[tilespmem:s4], [sflag:$0x1] =	stream.linear.gather [hbm4b:s1+s4], $0x2000, $0x38;
	[tilespmem:$0x8180] =	vst v63  }
0x11: {  	_ =	swait.ge [sflag:s11], $0x2000  }
0x12: {  	[sflag:s11] =	ssyncset.done $0x0  }
0x13: {  	[sflag:s11] =	ssyncadd.s32 $0xFFFFE000  }
0x14: {  	[tilespmem:s12], [sflag:$0x1] =	stream.linear.gather [hbm4b:s2+s4], $0x2000, $0x38;
	[tilespmem:$0x8180] =	vst v63  }
0x15: {  	_ =	swait.ge [sflag:s11], $0x2000  }
0x16: {  	[sflag:s11] =	ssyncset.done $0x0  }
0x17: {  	[sflag:s11] =	ssyncadd.s32 $0xFFFFE000  }
0x18: {  	[tilespmem:s13], [sflag:$0x1] =	stream.linear.gather [hbm4b:s5+s4], $0x2000, $0x38;
	[tilespmem:$0x8180] =	vst v63  }
0x19: {  	_ =	swait.ge [sflag:s11], $0x2000  }
0x1a: {  	[sflag:s11] =	ssyncset.done $0x0  }
0x1b: {  	[sflag:s11] =	ssyncadd.s32 $0xFFFFE000  }
0x1c: {  	[tilespmem:s14], [sflag:$0x1] =	stream.linear.gather [hbm4b:s6+s4], $0x40, $0x38;
	[tilespmem:$0x8180] =	vst v63  }
0x1d: {  	_ =	swait.ge [sflag:s11], $0x40  }
0x1e: {  	[sflag:s11] =	ssyncset.done $0x0  }
0x1f: {  	[sflag:s11] =	ssyncadd.s32 $0xFFFFFFC0  }
0x20: {  	[tilespmem:s15], [sflag:$0x1] =	stream.linear.gather [hbm4b:s7+s4], $0x40, $0x38;
	[tilespmem:$0x8180] =	vst v63  }
0x21: {  	_ =	swait.ge [sflag:s11], $0x40  }
0x22: {  	[sflag:s11] =	ssyncset.done $0x0  }
0x23: {  	[sflag:s11] =	ssyncadd.s32 $0xFFFFFFC0  }
0x24: {  	[tilespmem:s16], [sflag:$0x1] =	stream.linear.gather [hbm4b:s8+s4], $0x40, $0x38;
	[tilespmem:$0x8180] =	vst v63  }
0x25: {  	_ =	swait.ge [sflag:s11], $0x40  }
0x26: {  	[sflag:s11] =	ssyncset.done $0x0  }
0x27: {  	[sflag:s11] =	ssyncadd.s32 $0xFFFFFFC0  }
0x28: {  	v1 =	vld [tilespmem:$0x6000]  }
0x29: {  	v2 =	vld [tilespmem:$0x6080]  }
0x2a: {  	s19 =	simm.s32 $0x0;
	v3 =	vld [tilespmem:$0x6100]  }
.LBB2_2:
0x2b: {  	s22 =	simm.s32 $0x0  }
0x2c: {  	s20 =	simm.s32 $0x4000;
	v7 =	vld [tilespmem:s22+$0x0]  }
0x2d: {  	v8 =	vld [tilespmem:s20+$0x0]  }
0x2e: {  	s21 =	simm.s32 $0x2000  }
0x2f: {  	v6 =	vmov s19;
	v9 =	vld [tilespmem:s21+$0x0]  }
0x30: {  	v4 =	vperm.xlane v1, v6;
	v5 =	vperm.xlane v3, v6;
	_ =	sdelay $0x1  }
0x31: {  	v6 =	vperm.xlane v2, v6;
	v7 =	vsub.f32 v7, v4;
	v8 =	vsub.f32 v8, v5;
	_ =	sdelay $0x1  }
0x32: {  	v9 =	vsub.f32 v9, v6;
	v7 =	vmul.f32 v7, v7;
	v8 =	vmul.f32 v8, v8;
	_ =	sdelay $0x1  }
0x33: {  	v7 =	vadd.f32 v8, v7;
	v8 =	vmul.f32 v9, v9;
	_ =	sdelay $0x1  }
0x34: {  	v8 =	vadd.f32 v7, v8  }
0x35: {  	v7 =	vimm.f32 $+Inf  }
0x36: {  	vm0 =	vlt.f32 v8, v7  }
0x37: {  	v9 =	vsel vm0, $0x3F800000, v0  }
0x38: {  	(xrf0) =	vmax.scan.msk.f32 $0xffff, v9;
	_ =	sdelay $0x5  }
0x39: {  	v9, _, _ =	vpop (xrf0)  }
0x3a: {  	(v2sf) =	vpush v9, $0xF;
	_ =	sdelay $0xe  }
0x3b: {  	s23 =	spop (v2sf)  }
0x3c: {  	p1 =	sgt.f32 s23, $0.0e+00;
	_ =	sdelay $0x1  }
0x3d: {  	v9 =	vlaneseq.u32 @p1  }
0x3e: {  	v10 =	vor.u32 @p1 s22, v9  }
0x3f: {  	(xrf1) =	vsort.ascd.msk.f32 @p1 $0xffff, v8, v10;
	_ =	sdelay $0xb  }
0x40: {  	v8 =	vmul.u32 @p1 $0xFFFFFFFF, v9;
	_ =	sdelay $0x1  }
0x41: {  	v8 =	vadd.s32 @p1 $0xF, v8;
	v9, v10, _ =	vpop @p1 (xrf1)  }
0x42: {  	v9 =	vperm.xlane @p1 v9, v8  }
0x43: {  	v10 =	vperm.xlane @p1 v10, v8  }
0x44: {  	v8 =	vimm.s32 $0x0;
	vm0 =	vle.f32 @p1 v7, v9  }
0x45: {  	v9 =	vsel @p1 vm0, v7, v9;
	v10 =	vsel @p1 vm0, v8, v10  }
0x46: {  	(xrf1) =	vsort.ascd.msk.f32 @p1 $0xffff, v9, v10;
	_ =	sdelay $0x2  }
0x47: {  	s23 =	simm.s32 $0x10;
	s22 =	simm.s32 $0x10;
	v9 =	vimm.f32 $+Inf  }
.LBB2_3:
0x48: {  	v10 =	vld [tilespmem:s22+$0x0];
	s20 =	sadd.s32 $0x10, s20;
	s24 =	smov.u32 s23  }
0x49: {  	s23 =	sadd.s32 $0x10, s23;
	v11 =	vld [tilespmem:s20+$0x0]  }
0x4a: {  	s21 =	sadd.s32 $0x10, s21;
	p0 =	sne.s32 s23, $0x2000  }
0x4b: {  	v12 =	vld [tilespmem:s21+$0x0];
	_ =	sdelay $0x2  }
0x4c: {  	v10 =	vsub.f32 v10, v4;
	v11 =	vsub.f32 v11, v5;
	_ =	sdelay $0x1  }
0x4d: {  	v10 =	vmul.f32 v10, v10;
	v12 =	vsub.f32 v12, v6;
	v11 =	vmul.f32 v11, v11;
	_ =	sdelay $0x1  }
0x4e: {  	v10 =	vadd.f32 v11, v10;
	v11 =	vmul.f32 v12, v12;
	v12 =	vimm.s32 @p1 $0xF;
	v13, v14, _ =	vpop @p1 (xrf1)  }
0x4f: {  	v12 =	vperm.xlane @p1 v13, v12;
	v7 =	vpsel p1, v13, v7;
	v8 =	vpsel p1, v14, v8  }
0x50: {  	v10 =	vadd.f32 v10, v11  }
0x51: {  	v9 =	vpsel p1, v12, v9  }
0x52: {  	vm0 =	vlt.f32 v10, v9  }
0x53: {  	v11 =	vsel vm0, $0x3F800000, v0  }
0x54: {  	(xrf0) =	vmax.scan.msk.f32 $0xffff, v11;
	_ =	sdelay $0x5  }
0x55: {  	v11, _, _ =	vpop (xrf0)  }
0x56: {  	(v2sf) =	vpush v11, $0xF;
	_ =	sdelay $0xe  }
0x57: {  	s25 =	spop (v2sf)  }
0x58: {  	p1 =	sgt.f32 s25, $0.0e+00;
	_ =	sdelay $0x1  }
0x59: {  	v11 =	vlaneseq.u32 @p1  }
0x5a: {  	v12 =	vor.u32 @p1 s24, v11  }
0x5b: {  	(xrf1) =	vsort.ascd.msk.f32 @p1 $0xffff, v10, v12;
	_ =	sdelay $0xb  }
0x5c: {  	v10 =	vmul.u32 @p1 $0xFFFFFFFF, v11;
	_ =	sdelay $0x1  }
0x5d: {  	v10 =	vadd.s32 @p1 $0xF, v10;
	v11, v12, _ =	vpop @p1 (xrf1)  }
0x5e: {  	v11 =	vperm.xlane @p1 v11, v10  }
0x5f: {  	v10 =	vperm.xlane @p1 v12, v10  }
0x60: {  	vm0 =	vle.f32 @p1 v7, v11  }
.Ltmp0:
0x61: {  	v11 =	vsel @p1 vm0, v7, v11;
	v10 =	vsel @p1 vm0, v8, v10;
	(pc) =	sbr.rel @p0 .LBB2_3-.Ltmp0, $2  }
0x62: {  	(xrf1) =	vsort.ascd.msk.f32 @p1 $0xffff, v11, v10;
	_ =	sdelay $0x2  }
0x63: {  	s22 =	sadd.s32 $0x10, s22  }
0x64: {  	_ =	sdelay $0x5  }
0x65: {  	s20 =	sshll.u32 s19, $0x7;
	s19 =	sadd.s32 $0x1, s19  }
0x66: {  	p0 =	sne.s32 s19, $0x10  }
.Ltmp1:
0x67: {  	_ = 	snop;
	(pc) =	sbr.rel @p0 .LBB2_2-.Ltmp1, $4  }
0x68: {  	_ = 	snop  }
0x69: {  	v4, v5, _ =	vpop @p1 (xrf1)  }
0x6a: {  	s20 =	sand.u32 $0x3FFFFF80, s20;
	v4 =	vpsel p1, v5, v8  }
0x6b: {  	[tilespmem:s20+$0x6180] =	vst v4  }
0x6c: {  	v1 =	vld [tilespmem:$0x6010]  }
0x6d: {  	v2 =	vld [tilespmem:$0x6090]  }
0x6e: {  	s19 =	simm.s32 $0x0;
	v3 =	vld [tilespmem:$0x6110];
	s20 =	simm.s32 $0x0  }
.LBB2_6:
0x6f: {  	s21 =	simm.s32 $0x4000;
	v7 =	vld [tilespmem:s19+$0x0]  }
0x70: {  	v8 =	vld [tilespmem:s21+$0x0]  }
0x71: {  	s22 =	simm.s32 $0x2000  }
0x72: {  	v6 =	vmov s20;
	v9 =	vld [tilespmem:s22+$0x0]  }
0x73: {  	v4 =	vperm.xlane v1, v6;
	v5 =	vperm.xlane v3, v6;
	_ =	sdelay $0x1  }
0x74: {  	v6 =	vperm.xlane v2, v6;
	v7 =	vsub.f32 v7, v4;
	v8 =	vsub.f32 v8, v5;
	_ =	sdelay $0x1  }
0x75: {  	v9 =	vsub.f32 v9, v6;
	v7 =	vmul.f32 v7, v7;
	v8 =	vmul.f32 v8, v8;
	_ =	sdelay $0x1  }
0x76: {  	v7 =	vadd.f32 v8, v7;
	v8 =	vmul.f32 v9, v9;
	_ =	sdelay $0x1  }
0x77: {  	v8 =	vadd.f32 v7, v8  }
0x78: {  	v7 =	vimm.f32 $+Inf  }
0x79: {  	vm0 =	vlt.f32 v8, v7  }
0x7a: {  	v9 =	vsel vm0, $0x3F800000, v0  }
0x7b: {  	(xrf0) =	vmax.scan.msk.f32 $0xffff, v9;
	_ =	sdelay $0x5  }
0x7c: {  	v9, _, _ =	vpop (xrf0)  }
0x7d: {  	(v2sf) =	vpush v9, $0xF;
	_ =	sdelay $0xe  }
0x7e: {  	s23 =	spop (v2sf)  }
0x7f: {  	p1 =	sgt.f32 s23, $0.0e+00;
	_ =	sdelay $0x1  }
0x80: {  	v9 =	vlaneseq.u32 @p1  }
0x81: {  	v10 =	vor.u32 @p1 s19, v9  }
0x82: {  	(xrf1) =	vsort.ascd.msk.f32 @p1 $0xffff, v8, v10;
	_ =	sdelay $0xb  }
0x83: {  	v8 =	vmul.u32 @p1 $0xFFFFFFFF, v9;
	_ =	sdelay $0x1  }
0x84: {  	v8 =	vadd.s32 @p1 $0xF, v8;
	v9, v10, _ =	vpop @p1 (xrf1)  }
0x85: {  	v9 =	vperm.xlane @p1 v9, v8  }
0x86: {  	v10 =	vperm.xlane @p1 v10, v8  }
0x87: {  	v8 =	vimm.s32 $0x0;
	vm0 =	vle.f32 @p1 v7, v9  }
0x88: {  	v9 =	vsel @p1 vm0, v7, v9;
	v10 =	vsel @p1 vm0, v8, v10  }
0x89: {  	(xrf1) =	vsort.ascd.msk.f32 @p1 $0xffff, v9, v10;
	_ =	sdelay $0x2  }
0x8a: {  	s24 =	simm.s32 $0x10;
	s23 =	simm.s32 $0x10;
	v9 =	vimm.f32 $+Inf  }
.LBB2_7:
0x8b: {  	v10 =	vld [tilespmem:s23+$0x0];
	s21 =	sadd.s32 $0x10, s21;
	s25 =	smov.u32 s24  }
0x8c: {  	s24 =	sadd.s32 $0x10, s24;
	v11 =	vld [tilespmem:s21+$0x0]  }
0x8d: {  	s22 =	sadd.s32 $0x10, s22;
	p0 =	sne.s32 s24, $0x2000  }
0x8e: {  	v12 =	vld [tilespmem:s22+$0x0];
	_ =	sdelay $0x2  }
0x8f: {  	v10 =	vsub.f32 v10, v4;
	v11 =	vsub.f32 v11, v5;
	_ =	sdelay $0x1  }
0x90: {  	v10 =	vmul.f32 v10, v10;
	v12 =	vsub.f32 v12, v6;
	v11 =	vmul.f32 v11, v11;
	_ =	sdelay $0x1  }
0x91: {  	v10 =	vadd.f32 v11, v10;
	v11 =	vmul.f32 v12, v12;
	v12 =	vimm.s32 @p1 $0xF;
	v13, v14, _ =	vpop @p1 (xrf1)  }
0x92: {  	v12 =	vperm.xlane @p1 v13, v12;
	v7 =	vpsel p1, v13, v7;
	v8 =	vpsel p1, v14, v8  }
0x93: {  	v10 =	vadd.f32 v10, v11  }
0x94: {  	v9 =	vpsel p1, v12, v9  }
0x95: {  	vm0 =	vlt.f32 v10, v9  }
0x96: {  	v11 =	vsel vm0, $0x3F800000, v0  }
0x97: {  	(xrf0) =	vmax.scan.msk.f32 $0xffff, v11;
	_ =	sdelay $0x5  }
0x98: {  	v11, _, _ =	vpop (xrf0)  }
0x99: {  	(v2sf) =	vpush v11, $0xF;
	_ =	sdelay $0xe  }
0x9a: {  	s26 =	spop (v2sf)  }
0x9b: {  	p1 =	sgt.f32 s26, $0.0e+00;
	_ =	sdelay $0x1  }
0x9c: {  	v11 =	vlaneseq.u32 @p1  }
0x9d: {  	v12 =	vor.u32 @p1 s25, v11  }
0x9e: {  	(xrf1) =	vsort.ascd.msk.f32 @p1 $0xffff, v10, v12;
	_ =	sdelay $0xb  }
0x9f: {  	v10 =	vmul.u32 @p1 $0xFFFFFFFF, v11;
	_ =	sdelay $0x1  }
0xa0: {  	v10 =	vadd.s32 @p1 $0xF, v10;
	v11, v12, _ =	vpop @p1 (xrf1)  }
0xa1: {  	v11 =	vperm.xlane @p1 v11, v10  }
0xa2: {  	v10 =	vperm.xlane @p1 v12, v10  }
0xa3: {  	vm0 =	vle.f32 @p1 v7, v11  }
.Ltmp2:
0xa4: {  	v11 =	vsel @p1 vm0, v7, v11;
	v10 =	vsel @p1 vm0, v8, v10;
	(pc) =	sbr.rel @p0 .LBB2_7-.Ltmp2, $2  }
0xa5: {  	(xrf1) =	vsort.ascd.msk.f32 @p1 $0xffff, v11, v10;
	_ =	sdelay $0x2  }
0xa6: {  	s23 =	sadd.s32 $0x10, s23  }
0xa7: {  	_ =	sdelay $0x5  }
0xa8: {  	s21 =	sshll.u32 s20, $0x7;
	s20 =	sadd.s32 $0x1, s20  }
0xa9: {  	p0 =	sne.s32 s20, $0x10  }
.Ltmp3:
0xaa: {  	_ = 	snop;
	(pc) =	sbr.rel @p0 .LBB2_6-.Ltmp3, $4  }
0xab: {  	_ = 	snop  }
0xac: {  	v4, v5, _ =	vpop @p1 (xrf1)  }
0xad: {  	s21 =	sand.u32 $0x3FFFFF80, s21;
	v4 =	vpsel p1, v5, v8  }
0xae: {  	[tilespmem:s21+$0x6980] =	vst v4  }
0xaf: {  	v1 =	vld [tilespmem:$0x6020]  }
0xb0: {  	v2 =	vld [tilespmem:$0x60A0]  }
0xb1: {  	s19 =	simm.s32 $0x0;
	v3 =	vld [tilespmem:$0x6120];
	s20 =	simm.s32 $0x0  }
.LBB2_10:
0xb2: {  	s21 =	simm.s32 $0x4000;
	v7 =	vld [tilespmem:s19+$0x0]  }
0xb3: {  	v8 =	vld [tilespmem:s21+$0x0]  }
0xb4: {  	s22 =	simm.s32 $0x2000  }
0xb5: {  	v6 =	vmov s20;
	v9 =	vld [tilespmem:s22+$0x0]  }
0xb6: {  	v4 =	vperm.xlane v1, v6;
	v5 =	vperm.xlane v3, v6;
	_ =	sdelay $0x1  }
0xb7: {  	v6 =	vperm.xlane v2, v6;
	v7 =	vsub.f32 v7, v4;
	v8 =	vsub.f32 v8, v5;
	_ =	sdelay $0x1  }
0xb8: {  	v9 =	vsub.f32 v9, v6;
	v7 =	vmul.f32 v7, v7;
	v8 =	vmul.f32 v8, v8;
	_ =	sdelay $0x1  }
0xb9: {  	v7 =	vadd.f32 v8, v7;
	v8 =	vmul.f32 v9, v9;
	_ =	sdelay $0x1  }
0xba: {  	v8 =	vadd.f32 v7, v8  }
0xbb: {  	v7 =	vimm.f32 $+Inf  }
0xbc: {  	vm0 =	vlt.f32 v8, v7  }
0xbd: {  	v9 =	vsel vm0, $0x3F800000, v0  }
0xbe: {  	(xrf0) =	vmax.scan.msk.f32 $0xffff, v9;
	_ =	sdelay $0x5  }
0xbf: {  	v9, _, _ =	vpop (xrf0)  }
0xc0: {  	(v2sf) =	vpush v9, $0xF;
	_ =	sdelay $0xe  }
0xc1: {  	s23 =	spop (v2sf)  }
0xc2: {  	p1 =	sgt.f32 s23, $0.0e+00;
	_ =	sdelay $0x1  }
0xc3: {  	v9 =	vlaneseq.u32 @p1  }
0xc4: {  	v10 =	vor.u32 @p1 s19, v9  }
0xc5: {  	(xrf1) =	vsort.ascd.msk.f32 @p1 $0xffff, v8, v10;
	_ =	sdelay $0xb  }
0xc6: {  	v8 =	vmul.u32 @p1 $0xFFFFFFFF, v9;
	_ =	sdelay $0x1  }
0xc7: {  	v8 =	vadd.s32 @p1 $0xF, v8;
	v9, v10, _ =	vpop @p1 (xrf1)  }
0xc8: {  	v9 =	vperm.xlane @p1 v9, v8  }
0xc9: {  	v10 =	vperm.xlane @p1 v10, v8  }
0xca: {  	v8 =	vimm.s32 $0x0;
	vm0 =	vle.f32 @p1 v7, v9  }
0xcb: {  	v9 =	vsel @p1 vm0, v7, v9;
	v10 =	vsel @p1 vm0, v8, v10  }
0xcc: {  	(xrf1) =	vsort.ascd.msk.f32 @p1 $0xffff, v9, v10;
	_ =	sdelay $0x2  }
0xcd: {  	s24 =	simm.s32 $0x10;
	s23 =	simm.s32 $0x10;
	v9 =	vimm.f32 $+Inf  }
.LBB2_11:
0xce: {  	v10 =	vld [tilespmem:s23+$0x0];
	s21 =	sadd.s32 $0x10, s21;
	s25 =	smov.u32 s24  }
0xcf: {  	s24 =	sadd.s32 $0x10, s24;
	v11 =	vld [tilespmem:s21+$0x0]  }
0xd0: {  	s22 =	sadd.s32 $0x10, s22;
	p0 =	sne.s32 s24, $0x2000  }
0xd1: {  	v12 =	vld [tilespmem:s22+$0x0];
	_ =	sdelay $0x2  }
0xd2: {  	v10 =	vsub.f32 v10, v4;
	v11 =	vsub.f32 v11, v5;
	_ =	sdelay $0x1  }
0xd3: {  	v10 =	vmul.f32 v10, v10;
	v12 =	vsub.f32 v12, v6;
	v11 =	vmul.f32 v11, v11;
	_ =	sdelay $0x1  }
0xd4: {  	v10 =	vadd.f32 v11, v10;
	v11 =	vmul.f32 v12, v12;
	v12 =	vimm.s32 @p1 $0xF;
	v13, v14, _ =	vpop @p1 (xrf1)  }
0xd5: {  	v12 =	vperm.xlane @p1 v13, v12;
	v7 =	vpsel p1, v13, v7;
	v8 =	vpsel p1, v14, v8  }
0xd6: {  	v10 =	vadd.f32 v10, v11  }
0xd7: {  	v9 =	vpsel p1, v12, v9  }
0xd8: {  	vm0 =	vlt.f32 v10, v9  }
0xd9: {  	v11 =	vsel vm0, $0x3F800000, v0  }
0xda: {  	(xrf0) =	vmax.scan.msk.f32 $0xffff, v11;
	_ =	sdelay $0x5  }
0xdb: {  	v11, _, _ =	vpop (xrf0)  }
0xdc: {  	(v2sf) =	vpush v11, $0xF;
	_ =	sdelay $0xe  }
0xdd: {  	s26 =	spop (v2sf)  }
0xde: {  	p1 =	sgt.f32 s26, $0.0e+00;
	_ =	sdelay $0x1  }
0xdf: {  	v11 =	vlaneseq.u32 @p1  }
0xe0: {  	v12 =	vor.u32 @p1 s25, v11  }
0xe1: {  	(xrf1) =	vsort.ascd.msk.f32 @p1 $0xffff, v10, v12;
	_ =	sdelay $0xb  }
0xe2: {  	v10 =	vmul.u32 @p1 $0xFFFFFFFF, v11;
	_ =	sdelay $0x1  }
0xe3: {  	v10 =	vadd.s32 @p1 $0xF, v10;
	v11, v12, _ =	vpop @p1 (xrf1)  }
0xe4: {  	v11 =	vperm.xlane @p1 v11, v10  }
0xe5: {  	v10 =	vperm.xlane @p1 v12, v10  }
0xe6: {  	vm0 =	vle.f32 @p1 v7, v11  }
.Ltmp4:
0xe7: {  	v11 =	vsel @p1 vm0, v7, v11;
	v10 =	vsel @p1 vm0, v8, v10;
	(pc) =	sbr.rel @p0 .LBB2_11-.Ltmp4, $2  }
0xe8: {  	(xrf1) =	vsort.ascd.msk.f32 @p1 $0xffff, v11, v10;
	_ =	sdelay $0x2  }
0xe9: {  	s23 =	sadd.s32 $0x10, s23  }
0xea: {  	_ =	sdelay $0x5  }
0xeb: {  	s21 =	sshll.u32 s20, $0x7;
	s20 =	sadd.s32 $0x1, s20  }
0xec: {  	p0 =	sne.s32 s20, $0x10  }
.Ltmp5:
0xed: {  	_ = 	snop;
	(pc) =	sbr.rel @p0 .LBB2_10-.Ltmp5, $4  }
0xee: {  	_ = 	snop  }
0xef: {  	v4, v5, _ =	vpop @p1 (xrf1)  }
0xf0: {  	s21 =	sand.u32 $0x3FFFFF80, s21;
	v4 =	vpsel p1, v5, v8  }
0xf1: {  	[tilespmem:s21+$0x7180] =	vst v4  }
0xf2: {  	v1 =	vld [tilespmem:$0x6030]  }
0xf3: {  	v2 =	vld [tilespmem:$0x60B0]  }
0xf4: {  	s19 =	simm.s32 $0x0;
	v3 =	vld [tilespmem:$0x6130];
	s20 =	simm.s32 $0x0  }
.LBB2_14:
0xf5: {  	s21 =	simm.s32 $0x4000;
	v7 =	vld [tilespmem:s19+$0x0]  }
0xf6: {  	v8 =	vld [tilespmem:s21+$0x0]  }
0xf7: {  	s22 =	simm.s32 $0x2000  }
0xf8: {  	v6 =	vmov s20;
	v9 =	vld [tilespmem:s22+$0x0]  }
0xf9: {  	v4 =	vperm.xlane v1, v6;
	v5 =	vperm.xlane v3, v6;
	_ =	sdelay $0x1  }
0xfa: {  	v6 =	vperm.xlane v2, v6;
	v7 =	vsub.f32 v7, v4;
	v8 =	vsub.f32 v8, v5;
	_ =	sdelay $0x1  }
0xfb: {  	v9 =	vsub.f32 v9, v6;
	v7 =	vmul.f32 v7, v7;
	v8 =	vmul.f32 v8, v8;
	_ =	sdelay $0x1  }
0xfc: {  	v7 =	vadd.f32 v8, v7;
	v8 =	vmul.f32 v9, v9;
	_ =	sdelay $0x1  }
0xfd: {  	v8 =	vadd.f32 v7, v8  }
0xfe: {  	v7 =	vimm.f32 $+Inf  }
0xff: {  	vm0 =	vlt.f32 v8, v7  }
0x100: {  	v9 =	vsel vm0, $0x3F800000, v0  }
0x101: {  	(xrf0) =	vmax.scan.msk.f32 $0xffff, v9;
	_ =	sdelay $0x5  }
0x102: {  	v9, _, _ =	vpop (xrf0)  }
0x103: {  	(v2sf) =	vpush v9, $0xF;
	_ =	sdelay $0xe  }
0x104: {  	s23 =	spop (v2sf)  }
0x105: {  	p1 =	sgt.f32 s23, $0.0e+00;
	_ =	sdelay $0x1  }
0x106: {  	v9 =	vlaneseq.u32 @p1  }
0x107: {  	v10 =	vor.u32 @p1 s19, v9  }
0x108: {  	(xrf1) =	vsort.ascd.msk.f32 @p1 $0xffff, v8, v10;
	_ =	sdelay $0xb  }
0x109: {  	v8 =	vmul.u32 @p1 $0xFFFFFFFF, v9;
	_ =	sdelay $0x1  }
0x10a: {  	v8 =	vadd.s32 @p1 $0xF, v8;
	v9, v10, _ =	vpop @p1 (xrf1)  }
0x10b: {  	v9 =	vperm.xlane @p1 v9, v8  }
0x10c: {  	v10 =	vperm.xlane @p1 v10, v8  }
0x10d: {  	v8 =	vimm.s32 $0x0;
	vm0 =	vle.f32 @p1 v7, v9  }
0x10e: {  	v9 =	vsel @p1 vm0, v7, v9;
	v10 =	vsel @p1 vm0, v8, v10  }
0x10f: {  	(xrf1) =	vsort.ascd.msk.f32 @p1 $0xffff, v9, v10;
	_ =	sdelay $0x2  }
0x110: {  	s24 =	simm.s32 $0x10;
	s23 =	simm.s32 $0x10;
	v9 =	vimm.f32 $+Inf  }
.LBB2_15:
0x111: {  	v10 =	vld [tilespmem:s23+$0x0];
	s21 =	sadd.s32 $0x10, s21;
	s25 =	smov.u32 s24  }
0x112: {  	s24 =	sadd.s32 $0x10, s24;
	v11 =	vld [tilespmem:s21+$0x0]  }
0x113: {  	s22 =	sadd.s32 $0x10, s22;
	p0 =	sne.s32 s24, $0x2000  }
0x114: {  	v12 =	vld [tilespmem:s22+$0x0];
	_ =	sdelay $0x2  }
0x115: {  	v10 =	vsub.f32 v10, v4;
	v11 =	vsub.f32 v11, v5;
	_ =	sdelay $0x1  }
0x116: {  	v10 =	vmul.f32 v10, v10;
	v12 =	vsub.f32 v12, v6;
	v11 =	vmul.f32 v11, v11;
	_ =	sdelay $0x1  }
0x117: {  	v10 =	vadd.f32 v11, v10;
	v11 =	vmul.f32 v12, v12;
	v12 =	vimm.s32 @p1 $0xF;
	v13, v14, _ =	vpop @p1 (xrf1)  }
0x118: {  	v12 =	vperm.xlane @p1 v13, v12;
	v7 =	vpsel p1, v13, v7;
	v8 =	vpsel p1, v14, v8  }
0x119: {  	v10 =	vadd.f32 v10, v11  }
0x11a: {  	v9 =	vpsel p1, v12, v9  }
0x11b: {  	vm0 =	vlt.f32 v10, v9  }
0x11c: {  	v11 =	vsel vm0, $0x3F800000, v0  }
0x11d: {  	(xrf0) =	vmax.scan.msk.f32 $0xffff, v11;
	_ =	sdelay $0x5  }
0x11e: {  	v11, _, _ =	vpop (xrf0)  }
0x11f: {  	(v2sf) =	vpush v11, $0xF;
	_ =	sdelay $0xe  }
0x120: {  	s26 =	spop (v2sf)  }
0x121: {  	p1 =	sgt.f32 s26, $0.0e+00;
	_ =	sdelay $0x1  }
0x122: {  	v11 =	vlaneseq.u32 @p1  }
0x123: {  	v12 =	vor.u32 @p1 s25, v11  }
0x124: {  	(xrf1) =	vsort.ascd.msk.f32 @p1 $0xffff, v10, v12;
	_ =	sdelay $0xb  }
0x125: {  	v10 =	vmul.u32 @p1 $0xFFFFFFFF, v11;
	_ =	sdelay $0x1  }
0x126: {  	v10 =	vadd.s32 @p1 $0xF, v10;
	v11, v12, _ =	vpop @p1 (xrf1)  }
0x127: {  	v11 =	vperm.xlane @p1 v11, v10  }
0x128: {  	v10 =	vperm.xlane @p1 v12, v10  }
0x129: {  	vm0 =	vle.f32 @p1 v7, v11  }
.Ltmp6:
0x12a: {  	v11 =	vsel @p1 vm0, v7, v11;
	v10 =	vsel @p1 vm0, v8, v10;
	(pc) =	sbr.rel @p0 .LBB2_15-.Ltmp6, $2  }
0x12b: {  	(xrf1) =	vsort.ascd.msk.f32 @p1 $0xffff, v11, v10;
	_ =	sdelay $0x2  }
0x12c: {  	s23 =	sadd.s32 $0x10, s23  }
0x12d: {  	_ =	sdelay $0x5  }
0x12e: {  	s21 =	sshll.u32 s20, $0x7;
	s20 =	sadd.s32 $0x1, s20  }
0x12f: {  	p0 =	sne.s32 s20, $0x10  }
.Ltmp7:
0x130: {  	_ = 	snop;
	(pc) =	sbr.rel @p0 .LBB2_14-.Ltmp7, $4  }
0x131: {  	_ = 	snop  }
0x132: {  	v4, v5, _ =	vpop @p1 (xrf1)  }
0x133: {  	s21 =	sand.u32 $0x3FFFFF80, s21;
	v4 =	vpsel p1, v5, v8  }
0x134: {  	[tilespmem:s21+$0x7980] =	vst v4  }
0x135: {  	s18 =	sadd.s32 $0x1, s18  }
0x136: {  	p0 =	sne.s32 s18, s10  }
.Ltmp8:
0x137: {  	_ = 	snop;
	(pc) =	sbr.rel @p0 .LBB2_1-.Ltmp8, $4  }
0x138: {  	[hbm4b:s9+s4] =	stream.linear.scatter [tilespmem:s17], [sflag:$0x1], $0x2000, $0x38;
	[tilespmem:$0x8180] =	vst v63  }
0x139: {  	_ =	swait.ge [sflag:s11], $0x2000  }
0x13a: {  	[sflag:s11] =	ssyncset.done $0x0  }
0x13b: {  	[sflag:s11] =	ssyncadd.s32 $0xFFFFE000  }
0x13c: {  	_ =	sfence.sel $0x180000  }
0x13d: {  	[bflag:$0x0] =	sbarrier.arrive $0xFFFF  }
0x13e: {  	p0 =	sne.s32 s3, $0x0;
	_ =	strace $0x90000047  }
0x13f: {  	s0 =	sadd.s32 @!p0 $0x100000, s0;
	[bflag:$0x2] =	sbarrier.arrive $0xFFFF  }
0x140: {  	[sflag:s0] =	ssyncadd.tile.s32 @!p0 $0x1;
	_ =	shalt  }
.Lfunc_end2:
_tile_overlayer_lowered:
.L_overlay_start_2:
0x141: {  	(tag) =	ssettag $0x2  }
0x142: {  	s0 =	rddreg [dreg:$0x0];
	s2 =	stileid.u32  }
0x143: {  	s1 =	rddreg [dreg:$0x1];
	p0 =	sne.s32 s2, $0x0  }
0x144: {  	s3 =	rddreg [dreg:$0x2];
	[bflag:$0x3] =	sbarrier.arrive $0xFFFF;
	s2 =	simm.s32 @!p0 $0x1C01  }
0x145: {  	[timem:s3], [sflag:s2] =	dma.local @!p0 [hbm:s0], s1  }
0x146: {  	s0 =	simm.s32 @!p0 $0x1  }
0x147: {  	_ =	swait.ge @!p0 [sflag:s0], s1  }
0x148: {  	s1 =	ssub.s32 @!p0 $0x0, s1;
	[sflag:s0] =	ssyncset.done @!p0 $0x0  }
0x149: {  	[sflag:s0] =	ssyncadd.s32 @!p0 s1  }
0x14a: {  	[bflag:$0x3] =	sbarrier.arrive $0xFFFF  }
0x14b: {  	_ =	shalt  }

// kernel: kernel.9.cloned.1.call-start
scs
__scs_entry_jumppad:
0x0: {  	(pc) =	sbr.rel $0x88, $3  }
0x1: {  	(tag) =	ssettag $0x0;
	lr =	simm.s32 $0x1  }
0x2: {  	[smem:$0x3F9D] =	sst lr;
	_ =	strace $0xD0000000  }
0x3: {  	_ = 	snop  }
0x4: {  	_ = 	snop  }
0x5: {  	_ = 	snop  }
0x6: {  	_ = 	snop  }
0x7: {  	_ = 	snop  }
__scs_overlays_trampoline_lowered:
0x8: {  	[smem:$0x3FAC] =	sst s0  }
0x9: {  	[smem:$0x3FAD] =	sst s1  }
0xa: {  	[smem:$0x3FAE] =	sst s2  }
0xb: {  	[smem:$0x3FAF] =	sst s3  }
0xc: {  	[smem:$0x3FB0] =	sst s4  }
0xd: {  	[smem:$0x3FB1] =	sst s5  }
0xe: {  	[smem:$0x3FB2] =	sst s6  }
0xf: {  	[smem:$0x3FB3] =	sst s7  }
0x10: {  	[smem:$0x3FB4] =	sst s8  }
0x11: {  	[smem:$0x3FB5] =	sst s9;
	s0 =	simm.s32 @!p0 $0x0  }
0x12: {  	s1 =	sld [smem:$0x3F9B];
	s0 =	simm.s32 @p0 $0x1  }
0x13: {  	[smem:$0x3FB6] =	sst s0;
	s0 =	simm.s32 @!p1 $0x0  }
0x14: {  	s2 =	sld [smem:$0x3F9A];
	s0 =	simm.s32 @p1 $0x1  }
0x15: {  	[smem:$0x3FB7] =	sst s0;
	s0 =	simm.s32 @!p2 $0x0  }
0x16: {  	s3 =	sld [smem:$0x3FDB];
	s0 =	simm.s32 @p2 $0x1  }
0x17: {  	s4 =	simm.s32 $0x1BF5;
	[smem:$0x3FB9] =	sst s0  }
0x18: {  	s0 =	sld [smem:$0x3F9C];
	_ =	swait.ge [sflag:s4], $0x0  }
0x19: {  	s7 =	sld [smem:$0x3F9D]  }
0x1a: {  	s8 =	sadd.s32 $0xFFFFE003, lr  }
0x1b: {  	s9 =	sadd.s32 $0xFFFFFEF7, lr;
	s5 =	simm.s32 $0xFFFFFFFF;
	p2 =	slt.u32 s8, $0xFFFFF086  }
0x1c: {  	p1 =	slt.u32 s9, $0xF7A;
	s5 =	simm.s32 @!p2 $0x0  }
0x1d: {  	s5 =	simm.s32 @p1 $0x1;
	p0 =	seq.s32 s7, s2  }
0x1e: {  	s7 =	smul.u32 @!p0 $0xF7A, s2;
	p2 =	seq.s32 @!p0 s5, $0x0  }
0x1f: {  	s9 =	smul.u32 $0xF7A, s1;
	s8 =	simm.s32 @!p0 $0x1BF5;
	p2 =	por !p2, p0  }
0x20: {  	[sflag:s8] =	ssyncset.s32 @!p0 $0xFFFFF086;
	s6 =	sadd.s32 @!p0 s3, s7;
	s7 =	simm.s32 @!p0 $0x108  }
0x21: {  	s3 =	sadd.s32 s3, s9;
	s6 =	sadd.s32 @!p0 $0x88, s6;
	s7 =	simm.s32 @p2 $0x1082  }
0x22: {  	[simem:s7], [sflag:s8] =	dma.local @!p0 [hbm:s6], $0xF7A  }
0x23: {  	s9 =	sor.u32 $0xD0000000, s2;
	s6 =	simm.s32 $0x108;
	_ =	swait.ge @!p0 [sflag:s8], $0x0  }
0x24: {  	s3 =	sadd.s32 $0x88, s3;
	s6 =	simm.s32 @!p1 $0x1082;
	[sflag:s4] =	ssyncset.s32 $0xFFFFF086  }
0x25: {  	[simem:s6], [sflag:s4] =	dma.local [hbm:s3], $0xF7A  }
0x26: {  	[smem:$0x3F9D] =	sst s1;
	(tag) =	ssettag s2;
	_ =	strace s9  }
0x27: {  	s1 =	sld [smem:$0x3FAD]  }
0x28: {  	s2 =	sld [smem:$0x3FAE]  }
0x29: {  	s4 =	sld [smem:$0x3FB0]  }
0x2a: {  	p0 =	seq.s32 s5, $0x0;
	s5 =	sld [smem:$0x3FB1]  }
0x2b: {  	s6 =	sld [smem:$0x3FB2]  }
0x2c: {  	s7 =	sld [smem:$0x3FB3]  }
0x2d: {  	s3 =	simm.s32 $0x108;
	s8 =	sld [smem:$0x3FB4]  }
0x2e: {  	s3 =	simm.s32 @!p0 $0x1082;
	s9 =	sld [smem:$0x3FB5]  }
0x2f: {  	lr =	sadd.s32 s0, s3;
	s0 =	sld [smem:$0x3FAC]  }
0x30: {  	s3 =	sld [smem:$0x3FAF]  }
0x31: {  	[smem:$0x3FB8] =	sst s10  }
0x32: {  	s10 =	sld [smem:$0x3FB6];
	_ =	sdelay $0x3  }
0x33: {  	p0 =	seq.s32 s10, $0x1;
	s10 =	sld [smem:$0x3FB8];
	_ =	sdelay $0x3  }
0x34: {  	[smem:$0x3FB8] =	sst s10  }
0x35: {  	s10 =	sld [smem:$0x3FB7];
	_ =	sdelay $0x3  }
0x36: {  	p1 =	seq.s32 s10, $0x1;
	s10 =	sld [smem:$0x3FB8];
	_ =	sdelay $0x3  }
0x37: {  	[smem:$0x3FB8] =	sst s10  }
0x38: {  	s10 =	sld [smem:$0x3FB9]  }
0x39: {  	_ = 	snop;
	(pc) =	sbr.ind lr, $3  }
0x3a: {  	_ = 	snop  }
0x3b: {  	_ = 	snop  }
0x3c: {  	p2 =	seq.s32 s10, $0x1;
	s10 =	sld [smem:$0x3FB8]  }
0x3d: {  	_ =	shalt  }
0x3e: {  	_ =	shalt  }
0x3f: {  	_ =	shalt  }
0x40: {  	_ =	shalt  }
0x41: {  	_ =	shalt  }
0x42: {  	_ =	shalt  }
0x43: {  	_ =	shalt  }
0x44: {  	_ =	shalt  }
0x45: {  	_ =	shalt  }
0x46: {  	_ =	shalt  }
0x47: {  	_ =	shalt  }
0x48: {  	_ =	shalt  }
0x49: {  	_ =	shalt  }
0x4a: {  	_ =	shalt  }
0x4b: {  	_ =	shalt  }
0x4c: {  	_ =	shalt  }
0x4d: {  	_ =	shalt  }
0x4e: {  	_ =	shalt  }
0x4f: {  	_ =	shalt  }
0x50: {  	_ =	shalt  }
0x51: {  	_ =	shalt  }
0x52: {  	_ =	shalt  }
0x53: {  	_ =	shalt  }
0x54: {  	_ =	shalt  }
0x55: {  	_ =	shalt  }
0x56: {  	_ =	shalt  }
0x57: {  	_ =	shalt  }
0x58: {  	_ =	shalt  }
0x59: {  	_ =	shalt  }
0x5a: {  	_ =	shalt  }
0x5b: {  	_ =	shalt  }
0x5c: {  	_ =	shalt  }
0x5d: {  	_ =	shalt  }
0x5e: {  	_ =	shalt  }
0x5f: {  	_ =	shalt  }
0x60: {  	_ =	shalt  }
0x61: {  	_ =	shalt  }
0x62: {  	_ =	shalt  }
0x63: {  	_ =	shalt  }
0x64: {  	_ =	shalt  }
0x65: {  	_ =	shalt  }
0x66: {  	_ =	shalt  }
0x67: {  	_ =	shalt  }
0x68: {  	_ =	shalt  }
0x69: {  	_ =	shalt  }
0x6a: {  	_ =	shalt  }
0x6b: {  	_ =	shalt  }
0x6c: {  	_ =	shalt  }
0x6d: {  	_ =	shalt  }
0x6e: {  	_ =	shalt  }
0x6f: {  	_ =	shalt  }
0x70: {  	_ =	shalt  }
0x71: {  	_ =	shalt  }
0x72: {  	_ =	shalt  }
0x73: {  	_ =	shalt  }
0x74: {  	_ =	shalt  }
0x75: {  	_ =	shalt  }
0x76: {  	_ =	shalt  }
0x77: {  	_ =	shalt  }
0x78: {  	_ =	shalt  }
0x79: {  	_ =	shalt  }
0x7a: {  	_ =	shalt  }
0x7b: {  	_ =	shalt  }
0x7c: {  	_ =	shalt  }
0x7d: {  	_ =	shalt  }
0x7e: {  	_ =	shalt  }
0x7f: {  	_ =	shalt  }
0x80: {  	_ =	shalt  }
0x81: {  	_ =	shalt  }
0x82: {  	_ =	shalt  }
0x83: {  	_ =	shalt  }
0x84: {  	_ =	shalt  }
0x85: {  	_ =	shalt  }
0x86: {  	_ =	shalt  }
0x87: {  	_ =	shalt  }
.Lfunc_end0:
.L_simem_size_0:
called_computation.1_lowered:
.L_overlay_start_0:
0x88: {  	s2 =	sld [smem:$0x3FD9]  }
0x89: {  	s3 =	sld [smem:$0x3FFE];
	_ =	sdelay $0x1  }
0x8a: {  	s1 =	srdreg.scid  }
0x8b: {  	s0 =	sand.u32 $0x1, s1  }
0x8c: {  	s14 =	sshll.u32 s0, $0xA;
	s2 =	sadd.s32 s3, s2  }
0x8d: {  	s2 =	sadd.s32 s2, s14  }
0x8e: {  	[smem:$0x3FC4] =	sst s2  }
0x8f: {  	_ = 	snop  }
0x90: {  	s2 =	sld [smem:$0x3FD0];
	_ =	sdelay $0x2  }
0x91: {  	s15 =	simm.s32 $0xA;
	s4 =	simm.s32 $0x10  }
0x92: {  	[smem:s4], [sflag:s15] =	dma.local [hbm:s2], $0x1  }
0x93: {  	_ =	swait.eq [sflag:s15], $0x1  }
0x94: {  	[sflag:s15] =	ssyncset.done $0x0  }
0x95: {  	[sflag:s15] =	ssyncadd.s32 $0xFFFFFFFF  }
0x96: {  	s16 =	sld [smem:$0x10];
	(tm) =	ssettm $0x1  }
0x97: {  	s17 =	sld [smem:$0x3FFB];
	_ =	sdelay $0x3  }
0x98: {  	_ =	strace s17  }
0x99: {  	s3 =	sld [smem:$0x3FFC];
	_ =	sdelay $0x3  }
0x9a: {  	_ =	strace s3  }
0x9b: {  	s3 =	sld [smem:$0x3FFD];
	_ =	sdelay $0x3  }
0x9c: {  	_ =	strace s3  }
0x9d: {  	_ =	strace $0x8FFFFFFF  }
0x9e: {  	s18 =	sld [smem:$0x3FDB];
	_ =	sdelay $0x1  }
0x9f: {  	s19 =	simm.s32 $_scs_section_size  }
0xa0: {  	s5 =	simm.s32 $_size__tile_overlayer_lowered;
	s6 =	simm.s32 $_tile_overlayer_lowered  }
0xa1: {  	s22 =	simm.s32 $0x1BFF;
	s21 =	sshll.u32 s6, $0x1;
	s3 =	sadd.s32 s19, s18  }
0xa2: {  	s7 =	simm.s32 $0x0;
	s20 =	sshll.u32 s5, $0x1;
	s5 =	sadd.s32 s21, s3  }
0xa3: {  	[timem:s7], [sflag:s22] =	dma.local [hbm:s5], s20  }
0xa4: {  	_ =	swait.ge [sflag:s22], s20  }
0xa5: {  	s4 =	ssub.s32 $0x0, s20;
	[sflag:s22] =	ssyncset.done $0x0  }
0xa6: {  	[sflag:s22] =	ssyncadd.s32 s4;
	_ =	sdelay $0x1  }
0xa7: {  	s23 =	simm.s32 $0x1B8B  }
0xa8: {  	_ =	swait.ge [sflag:s23], $0x1  }
0xa9: {  	[sflag:s23] =	ssyncset.done $0x0  }
0xaa: {  	s25 =	simm.s32 $0x1B8E;
	s24 =	sld [smem:$0x3FFE];
	[sflag:s23] =	ssyncadd.s32 $0xFFFFFFFF  }
0xab: {  	s26 =	simm.s32 $execute0_lowered;
	[smem:$0x3FD2] =	sst s25  }
0xac: {  	s5 =	sshll.u32 s26, $0x1;
	_ =	strace $0x80000049;
	[dreg:$0x1] =	wrdreg $0xFFFFFFFF  }
0xad: {  	s28 =	simm.s32 $_size_execute0_lowered;
	s3 =	sadd.s32 s3, s5;
	[dreg:$0x0] =	wrdreg $0x0  }
0xae: {  	s5 =	sshll.u32 s28, $0x1;
	[dreg:$0x2] =	wrdreg s3  }
0xaf: {  	[dreg:$0x3] =	wrdreg s5  }
0xb0: {  	[dreg:$0x4] =	wrdreg $0xC0  }
0xb1: {  	_ =	task [dreg:s7], $0x5FFFF  }
0xb2: {  	[dreg:$0x1] =	wrdreg $0xFFFFFFFF  }
0xb3: {  	[dreg:$0x0] =	wrdreg $0x60  }
0xb4: {  	[dreg:$0x2] =	wrdreg s24  }
0xb5: {  	[dreg:$0x3] =	wrdreg s16  }
0xb6: {  	[dreg:$0x4] =	wrdreg $0x9  }
0xb7: {  	_ =	task.clear_ibuf [dreg:s7], $0x5FFFF;
	_ =	strace $0x90000049  }
0xb8: {  	s29 =	simm.s32 $0x9;
	_ =	strace $0x8000004B  }
0xb9: {  	_ =	swait.ge [sflag:s29], $0x1  }
0xba: {  	[sflag:s29] =	ssyncadd.s32 $0xFFFFFFFF  }
0xbb: {  	_ =	strace $0x9000004B  }
0xbc: {  	_ =	sfence  }
0xbd: {  	s30 =	sld [smem:$0x0];
	_ =	sdelay $0x2  }
0xbe: {  	s31 =	sshll.u32 s1, $0xD;
	s1 =	sshrl.u32 s1, $0x2  }
0xbf: {  	s3 =	sand.u32 $0x4000, s31;
	s1 =	sadd.s32 s1, s30  }
0xc0: {  	s0 =	sor.u32 s3, s0;
	s1 =	sshll.u32 s1, $0x11  }
0xc1: {  	s0 =	sor.u32 s1, s0  }
0xc2: {  	s0 =	sadd.s32 $0x8F2B, s0  }
0xc3: {  	[sflag:s0] =	ssyncadd.remote.s32 $0x1  }
0xc4: {  	_ =	sfence.sel $0xFFFF  }
0xc5: {  	[dreg:$0x0] =	wrdreg $0xFFFFFFFF;
	(pc) =	sbr.abs _section_cstart, $3  }
0xc6: {  	[dreg:$0x1] =	wrdreg $0xFFFFFFFF  }
0xc7: {  	_ =	task.clear_ibuf [dreg:s7], $0x2FFFF;
	_ =	strace $0x9FFFFFFF  }
0xc8: {  	(tm) =	ssettm $0x7FFFFFFF  }
0xc9: {  	_ =	shalt  }
tec
execute0_lowered:
.L_overlay_start_1:
0x0: {  	(tag) =	ssettag $0x1  }
0x1: {  	s5 =	rddreg [dreg:$0x0]  }
0x2: {  	s6 =	rddreg [dreg:$0x1]  }
0x3: {  	s0 =	rddreg [dreg:$0x2];
	s3 =	srdreg.scid  }
0x4: {  	s2 =	simm.s32 $0x0;
	s1 =	stileid.u32;
	s10 =	simm.s32 $0x2800  }
0x5: {  	s11 =	simm.s32 $0x3000;
	s12 =	simm.s32 $0x3800;
	s13 =	simm.s32 $0x1  }
0x6: {  	s14 =	simm.s32 $0x4000;
	s15 =	simm.s32 $0x0;
	s3 =	sand.u32 $0x1, s3  }
0x7: {  	[smem:$0x7FF] =	sst s2;
	s4 =	sshll.u32 s1, $0x7;
	s7 =	sshll.u32 s3, $0x6  }
0x8: {  	_ =	strace $0x8000004A;
	s30 =	ssub.s32 $0x2, s3;
	s4 =	sor.u32 s7, s4  }
0x9: {  	s3 =	sadd.s32 $0xAC00, s5;
	s9 =	sshrl.u32 s30, $0x1;
	s8 =	sshll.u32 s4, $0x4  }
0xa: {  	v2 =	vlaneseq.u32;
	s7 =	ssub.s32 s30, s9;
	s31 =	sshll.u32 s4, $0x6;
	s9 =	simm.s32 $0x2000  }
0xb: {  	vm0 =	vmmov $0xffff;
	v1 =	vshrl.u32 v2, $0x3;
	s8 =	sadd.s32 s8, s5;
	s5 =	sadd.s32 $0xAD00, s5;
	s6 =	sadd.s32 s6, s31  }
0xc: {  	v0 =	vand.u32 $0x7, v2;
	v2 =	vor.u32 $0x8, v2;
	v1 =	vmul.u32 $0x8, v1;
	s7 =	smax.u32 s7, $0x1;
	s4 =	sadd.s32 $0x2C00, s8;
	s8 =	simm.s32 $0x2  }
.LBB2_1:
0xd: {  	[tilespmem:s2], [sflag:$0x2] =	stream.linear.gather [hbm4b:s4+s2], $0x2000, $0x38;
	[tilespmem:$0xC000] =	vst v63  }
0xe: {  	_ =	swait.ge [sflag:s8], $0x2000  }
0xf: {  	[sflag:s8] =	ssyncset.done $0x0  }
0x10: {  	s16 =	simm.s32 $0x0;
	[sflag:s8] =	ssyncadd.s32 $0xFFFFE000  }
.LBB2_2:
0x11: {  	s17 =	sshll.u32 s16, $0x9  }
0x12: {  	s18 =	sshrl.u32 s17, $0x2  }
0x13: {  	v3 =	vld [tilespmem:s18+$0x0];
	_ =	sdelay $0x4  }
0x14: {  	v4 =	vshll.u32 v3, $0x2  }
0x15: {  	v3 =	vand.u32 $0x7, v3;
	v4 =	vand.u32 $0xFFFFFFE0, v4  }
0x16: {  	v3 =	vor.u32 v3, v4  }
0x17: {  	v4 =	vperm.xlane v3, v0;
	_ =	sdelay $0x1  }
0x18: {  	v4 =	vadd.s32 v1, v4;
	_ =	sdelay $0x1  }
0x19: {  	v3 =	vperm.xlane v3, v2;
	_ =	sdelay $0x1  }
0x1a: {  	s20 =	simm.s32 $0x0;
	v3 =	vadd.s32 v1, v3  }
0x1b: {  	[tilespmem:s9], [sflag:$0x1] =	stream.indirect_vreg.gather [hbm4b:s3+s20], $0x80, v4, vm0, $0xb8;
	[tilespmem:$0xC000] =	vst v63  }
0x1c: {  	_ = 	snop  }
0x1d: {  	[tilespmem:s10], [sflag:$0x1] =	stream.indirect_vreg.gather [hbm4b:s5+s20], $0x80, v4, vm0, $0xb8;
	[tilespmem:$0xC000] =	vst v63  }
0x1e: {  	s31 =	sshll.u32 s16, $0x7  }
0x1f: {  	[tilespmem:s11], [sflag:$0x1] =	stream.indirect_vreg.gather [hbm4b:s3+s20], $0x80, v3, vm0, $0xb8;
	[tilespmem:$0xC000] =	vst v63  }
0x20: {  	s23 =	simm.s32 $0x10;
	s17 =	sand.u32 $0x7000, s17;
	s18 =	sand.u32 $0x380, s31  }
0x21: {  	[tilespmem:s12], [sflag:$0x1] =	stream.indirect_vreg.gather [hbm4b:s5+s20], $0x80, v3, vm0, $0xb8;
	[tilespmem:$0xC000] =	vst v63  }
0x22: {  	s19 =	sand.u32 $0xC00, s20;
	s17 =	sor.u32 s18, s17;
	_ =	swait.ge [sflag:s13], $0x2000  }
0x23: {  	s18 =	sadd.s32 $0x4000, s17;
	s17 =	sand.u32 $0x70, s20;
	[sflag:s13] =	ssyncset.done $0x0  }
0x24: {  	s22 =	simm.s32 $0x0;
	s21 =	sor.u32 s17, s19;
	[sflag:s13] =	ssyncadd.s32 $0xFFFFE000  }
.LBB2_3:
0x25: {  	p0 =	sne.s32 s23, $0x1F0;
	v3 =	vld [tilespmem:s21+$0x2080]  }
0x26: {  	v4 =	vld [tilespmem:s21+$0x2000]  }
0x27: {  	v5 =	vld [tilespmem:s21+$0x2100]  }
0x28: {  	v6 =	vld [tilespmem:s21+$0x2180]  }
0x29: {  	v7 =	vld [tilespmem:s21+$0x2200]  }
0x2a: {  	s24 =	sor.u32 s22, s20;
	s20 =	smov.u32 s23;
	v8 =	vld [tilespmem:s21+$0x2280]  }
0x2b: {  	s24 =	sor.u32 $0x380, s24;
	v3 =	vmax.f32 v4, v3;
	v4 =	vld [tilespmem:s21+$0x2300]  }
0x2c: {  	v3 =	vmax.f32 v3, v5;
	v5 =	vld [tilespmem:s24+$0x2000]  }
0x2d: {  	v3 =	vmax.f32 v3, v6;
	v6 =	vld [tilespmem:s21+$0x3000]  }
0x2e: {  	v3 =	vmax.f32 v3, v7;
	v7 =	vld [tilespmem:s21+$0x3080]  }
0x2f: {  	v3 =	vmax.f32 v3, v8;
	v8 =	vld [tilespmem:s21+$0x3100]  }
0x30: {  	v3 =	vmax.f32 v3, v4;
	v4 =	vld [tilespmem:s21+$0x3180]  }
0x31: {  	v3 =	vmax.f32 v3, v5;
	v5 =	vld [tilespmem:s21+$0x3200]  }
0x32: {  	v3 =	vmax.f32 v3, v6;
	v6 =	vld [tilespmem:s21+$0x3280]  }
0x33: {  	v3 =	vmax.f32 v3, v7;
	v7 =	vld [tilespmem:s21+$0x3300]  }
0x34: {  	v3 =	vmax.f32 v3, v8;
	v8 =	vld [tilespmem:s21+$0x3380]  }
0x35: {  	v3 =	vmax.f32 v3, v4  }
.Ltmp0:
0x36: {  	v3 =	vmax.f32 v3, v5;
	(pc) =	sbr.rel @p0 .LBB2_3-.Ltmp0, $4  }
0x37: {  	v3 =	vmax.f32 v3, v6  }
0x38: {  	s22 =	sadd.s32 $0x80, s22;
	s21 =	sadd.s32 s19, s18;
	v3 =	vmax.f32 v3, v7  }
0x39: {  	s19 =	sand.u32 $0xC00, s22;
	s24 =	sadd.s32 s17, s21;
	s17 =	sand.u32 $0x70, s23;
	v3 =	vmax.f32 v3, v8  }
0x3a: {  	s23 =	sadd.s32 $0x10, s23;
	s21 =	sor.u32 s17, s19;
	[tilespmem:s24+$0x0] =	vst v3  }
0x3b: {  	v3 =	vld [tilespmem:s21+$0x2080]  }
0x3c: {  	v4 =	vld [tilespmem:s21+$0x2000]  }
0x3d: {  	v5 =	vld [tilespmem:s21+$0x2100]  }
0x3e: {  	v6 =	vld [tilespmem:s21+$0x2180]  }
0x3f: {  	v7 =	vld [tilespmem:s21+$0x2200]  }
0x40: {  	v8 =	vld [tilespmem:s21+$0x2280];
	s20 =	sor.u32 s22, s20  }
0x41: {  	v54 =	vld [tilespmem:s21+$0x2300];
	s20 =	sor.u32 $0x380, s20;
	v3 =	vmax.f32 v4, v3  }
0x42: {  	v55 =	vld [tilespmem:s20+$0x2000];
	v3 =	vmax.f32 v3, v5  }
0x43: {  	v56 =	vld [tilespmem:s21+$0x3000];
	v3 =	vmax.f32 v3, v6  }
0x44: {  	v57 =	vld [tilespmem:s21+$0x3080];
	v3 =	vmax.f32 v3, v7  }
0x45: {  	v58 =	vld [tilespmem:s21+$0x3100];
	v3 =	vmax.f32 v3, v8  }
0x46: {  	v59 =	vld [tilespmem:s21+$0x3180];
	v3 =	vmax.f32 v3, v54  }
0x47: {  	v60 =	vld [tilespmem:s21+$0x3200];
	v3 =	vmax.f32 v3, v55  }
0x48: {  	v61 =	vld [tilespmem:s21+$0x3280];
	v3 =	vmax.f32 v3, v56  }
0x49: {  	v62 =	vld [tilespmem:s21+$0x3300];
	v3 =	vmax.f32 v3, v57  }
0x4a: {  	v63 =	vld [tilespmem:s21+$0x3380];
	s16 =	sadd.s32 $0x1, s16;
	v3 =	vmax.f32 v3, v58  }
0x4b: {  	p0 =	sne.s32 s16, $0x40;
	v3 =	vmax.f32 v3, v59  }
.Ltmp1:
0x4c: {  	v3 =	vmax.f32 v3, v60;
	(pc) =	sbr.rel @p0 .LBB2_2-.Ltmp1, $4  }
0x4d: {  	v3 =	vmax.f32 v3, v61  }
0x4e: {  	s18 =	sadd.s32 s19, s18;
	v3 =	vmax.f32 v3, v62  }
0x4f: {  	s17 =	sadd.s32 s17, s18;
	v3 =	vmax.f32 v3, v63  }
0x50: {  	[tilespmem:s17+$0x0] =	vst v3  }
0x51: {  	s15 =	sadd.s32 $0x1, s15  }
0x52: {  	p0 =	sne.s32 s15, s7  }
.Ltmp2:
0x53: {  	_ = 	snop;
	(pc) =	sbr.rel @p0 .LBB2_1-.Ltmp2, $4  }
0x54: {  	[hbm4b:s6+s2] =	stream.linear.scatter [tilespmem:s14], [sflag:$0x2], $0x8000, $0x38;
	[tilespmem:$0xC000] =	vst v63  }
0x55: {  	_ =	swait.ge [sflag:s8], $0x8000  }
0x56: {  	[sflag:s8] =	ssyncset.done $0x0  }
0x57: {  	[sflag:s8] =	ssyncadd.s32 $0xFFFF8000  }
0x58: {  	_ =	sfence.sel $0x180000  }
0x59: {  	[bflag:$0x0] =	sbarrier.arrive $0xFFFF  }
0x5a: {  	p0 =	sne.s32 s1, $0x0;
	_ =	strace $0x9000004A  }
0x5b: {  	s0 =	sadd.s32 @!p0 $0x100000, s0;
	[bflag:$0x2] =	sbarrier.arrive $0xFFFF  }
0x5c: {  	[sflag:s0] =	ssyncadd.tile.s32 @!p0 $0x1;
	_ =	shalt  }
.Lfunc_end2:
_tile_overlayer_lowered:
.L_overlay_start_2:
0x5d: {  	(tag) =	ssettag $0x2  }
0x5e: {  	s0 =	rddreg [dreg:$0x0];
	s2 =	stileid.u32  }
0x5f: {  	s1 =	rddreg [dreg:$0x1];
	p0 =	sne.s32 s2, $0x0  }
0x60: {  	s3 =	rddreg [dreg:$0x2];
	[bflag:$0x3] =	sbarrier.arrive $0xFFFF;
	s2 =	simm.s32 @!p0 $0x1C02  }
0x61: {  	[timem:s3], [sflag:s2] =	dma.local @!p0 [hbm:s0], s1  }
0x62: {  	s0 =	simm.s32 @!p0 $0x2  }
0x63: {  	_ =	swait.ge @!p0 [sflag:s0], s1  }
0x64: {  	s1 =	ssub.s32 @!p0 $0x0, s1;
	[sflag:s0] =	ssyncset.done @!p0 $0x0  }
0x65: {  	[sflag:s0] =	ssyncadd.s32 @!p0 s1  }
0x66: {  	[bflag:$0x3] =	sbarrier.arrive $0xFFFF  }
0x67: {  	_ =	shalt  }

</sc_bundles>
